<compile_context>
chip_gen: v7x
topology: tpu7x:2x2x1
jax: 0.10.2.dev20260603
libtpu: 0.0.44.dev20260713+nightly
codegen_flags: <defaults>
</compile_context>

<pallas_src>
import functools

import jax
import jax.numpy as jnp
from jax import lax
from jax.experimental import pallas as pl
from jax.experimental.pallas import tpu as pltpu
from jax.experimental.pallas import tpu_sc as plsc

N = 10000
E = 320000
D = 128

NC = 2
NS = 16
NTILES = NC * NS
EPT = E // NTILES
B = 80
NCHUNK = EPT // B
PAIRS = NCHUNK // 2
NP = 10240
RPT = NP // NS
ZR = 64



_BN = 1000


def _pre_body(x_ref, wl_ref, wlg_ref, wi_ref, wgi_ref, wo_ref, wgo_ref,
              xl_ref, tin_ref, tout_ref):
    xb = x_ref[...]
    xl = jnp.dot(xb, wl_ref[...].T, preferred_element_type=jnp.float32)
    gl = jax.nn.sigmoid(jnp.dot(xl, wlg_ref[...].T,
                                preferred_element_type=jnp.float32))
    xl_ref[...] = gl * xl
    for w_ref, wg_ref, t_ref in ((wi_ref, wgi_ref, tin_ref),
                                 (wo_ref, wgo_ref, tout_ref)):
        y = jnp.dot(jnp.dot(xb, w_ref[...], preferred_element_type=jnp.float32),
                    w_ref[...], preferred_element_type=jnp.float32)
        g = jnp.dot(y, wg_ref[...].T, preferred_element_type=jnp.float32)
        t_ref[...] = jax.nn.sigmoid(g) * y


def _precompute(x, w_loop, w_loop_g, w_in, wg_in, w_out, wg_out):
    grid = N // _BN
    full = lambda shape: pl.BlockSpec(shape, lambda i: (0, 0))
    nd_spec = pl.BlockSpec((_BN, D), lambda i: (i, 0))
    return pl.pallas_call(
        _pre_body,
        grid=(grid,),
        in_specs=[
            nd_spec,
            full((D, D)), full((1, D)),
            full((D, D)), full((1, D)),
            full((D, D)), full((1, D)),
        ],
        out_specs=[nd_spec, nd_spec, nd_spec],
        out_shape=[
            jax.ShapeDtypeStruct((N, D), jnp.float32),
            jax.ShapeDtypeStruct((N, D), jnp.float32),
            jax.ShapeDtypeStruct((N, D), jnp.float32),
        ],
    )(x, w_loop, w_loop_g, w_in, wg_in, w_out, wg_out)



def _edge_body(tin_hbm, tout_hbm, src_hbm, dst_hbm,
               out0_hbm, out1_hbm,
               sidx_v, didx_v, buf_a, buf_b, stage_v, acc_sh,
               sem_a, sem_b):
    core = lax.axis_index("c")
    sub = lax.axis_index("s")
    wid = core * NS + sub
    zero16 = jnp.zeros((16,), jnp.float32)

    def _zrow(i, c):
        for j in range(D // 16):
            stage_v[i, pl.ds(j * 16, 16)] = zero16
        return c
    lax.fori_loop(0, ZR, _zrow, 0)
    for k in range(RPT // ZR):
        pltpu.sync_copy(stage_v, acc_sh.at[pl.ds(sub * RPT + k * ZR, ZR)])

    pltpu.sync_copy(src_hbm.at[wid], sidx_v)
    pltpu.sync_copy(dst_hbm.at[wid], didx_v)
    plsc.subcore_barrier()

    def _run_direction(tab_hbm, gidx_all, scat_all):
        def _gather_start(c, buf, sem):
            pltpu.async_copy(tab_hbm.at[gidx_all.at[c]], buf, sem)

        def _gather_wait(c, buf, sem):
            pltpu.make_async_copy(tab_hbm.at[gidx_all.at[c]], buf, sem).wait()

        _gather_start(0, buf_a, sem_a)

        def _pair(p, carry):
            c0 = 2 * p
            _gather_start(c0 + 1, buf_b, sem_b)
            _gather_wait(c0, buf_a, sem_a)
            pltpu.sync_copy(buf_a, acc_sh.at[scat_all.at[c0]], add=True)
            _gather_start(c0 + 2, buf_a, sem_a)
            _gather_wait(c0 + 1, buf_b, sem_b)
            pltpu.sync_copy(buf_b, acc_sh.at[scat_all.at[c0 + 1]], add=True)
            return carry
        lax.fori_loop(0, PAIRS, _pair, 0)
        _gather_wait(NCHUNK - 1, buf_a, sem_a)
        pltpu.sync_copy(buf_a, acc_sh.at[scat_all.at[NCHUNK - 1]], add=True)

    _run_direction(tin_hbm, sidx_v, didx_v)
    _run_direction(tout_hbm, didx_v, sidx_v)

    plsc.subcore_barrier()

    @pl.when(core == 0)
    def _():
        for k in range(RPT // ZR):
            r0 = sub * RPT + k * ZR
            pltpu.sync_copy(acc_sh.at[pl.ds(r0, ZR)], stage_v)
            pltpu.sync_copy(stage_v, out0_hbm.at[pl.ds(r0, ZR)])

    @pl.when(core == 1)
    def _():
        for k in range(RPT // ZR):
            r0 = sub * RPT + k * ZR
            pltpu.sync_copy(acc_sh.at[pl.ds(r0, ZR)], stage_v)
            pltpu.sync_copy(stage_v, out1_hbm.at[pl.ds(r0, ZR)])


@functools.partial(
    pl.kernel,
    out_type=[
        jax.ShapeDtypeStruct((NP, D), jnp.float32),
        jax.ShapeDtypeStruct((NP, D), jnp.float32),
    ],
    mesh=plsc.VectorSubcoreMesh(core_axis_name="c", subcore_axis_name="s"),
    compiler_params=pltpu.CompilerParams(use_tc_tiling_on_sc=False),
    scratch_types=[
        pltpu.VMEM((NCHUNK, B), jnp.int32),
        pltpu.VMEM((NCHUNK, B), jnp.int32),
        pltpu.VMEM((B, D), jnp.float32),
        pltpu.VMEM((B, D), jnp.float32),
        pltpu.VMEM((ZR, D), jnp.float32),
        pltpu.VMEM_SHARED((NP, D), jnp.float32),
        pltpu.SemaphoreType.DMA,
        pltpu.SemaphoreType.DMA,
    ],
)
def _edge_sc(tin_hbm, tout_hbm, src_hbm, dst_hbm, out0_hbm, out1_hbm,
             sidx_v, didx_v, buf_a, buf_b, stage_v, acc_sh, sem_a, sem_b):
    _edge_body(tin_hbm, tout_hbm, src_hbm, dst_hbm, out0_hbm, out1_hbm,
               sidx_v, didx_v, buf_a, buf_b, stage_v, acc_sh, sem_a, sem_b)



def _fin_body(xl_ref, a0_ref, a1_ref, o_ref):
    o_ref[...] = jnp.maximum(xl_ref[...] + a0_ref[...] + a1_ref[...], 0.0)


def _finish(xl, a0, a1):
    spec = pl.BlockSpec((_BN, D), lambda i: (i, 0))
    return pl.pallas_call(
        _fin_body,
        grid=(N // _BN,),
        in_specs=[spec, spec, spec],
        out_specs=spec,
        out_shape=jax.ShapeDtypeStruct((N, D), jnp.float32),
    )(xl, a0, a1)


def kernel(x, edge_index, edge_label,
           W_loop, b_loop, W_loop_g, b_loop_g,
           W_dir_in, b_lab_in, W_dir_g_in, b_lab_g_in,
           W_dir_out, b_lab_out, W_dir_g_out, b_lab_g_out):
    src = edge_index[0].reshape(NTILES, NCHUNK, B)
    dst = edge_index[1].reshape(NTILES, NCHUNK, B)
    xl, tin, tout = _precompute(
        x, W_loop, W_loop_g,
        W_dir_in, W_dir_g_in.reshape(1, D),
        W_dir_out, W_dir_g_out.reshape(1, D))
    acc0, acc1 = _edge_sc(tin, tout, src, dst)
    return _finish(xl, acc0, acc1)

# --- scband reference (transcript-rebuilt; emitter-appended) ---
"""Pipeline reference for scband-sgcnconv-30958124270115 (READ-ONLY COPY).

The authoritative reference and input builder live on the scoring server;
editing this copy changes nothing except your own understanding.
"""

import jax, jax.numpy as jnp
import numpy as np

N = 10000
E = 320000
D = 128
L = 16


def setup_inputs(seed: int = 0) -> dict:
    key = jax.random.key(seed)
    ks = jax.random.split(key, 10)
    x = jax.random.normal(ks[0], (N, D), dtype=jnp.float32)
    edge_index = jax.random.randint(ks[1], (2, E), 0, N, dtype=jnp.int32)
    edge_label = jax.random.randint(ks[2], (E,), 0, L, dtype=jnp.int32)
    # SGCNLoop params (nn.Linear(D, D) and nn.Linear(D, 1)); biases zero-init per module
    W_loop = jax.random.normal(ks[3], (D, D), dtype=jnp.float32) * 0.05
    b_loop = jnp.zeros((D,), dtype=jnp.float32)
    W_loop_g = jax.random.normal(ks[4], (1, D), dtype=jnp.float32) * 0.05
    b_loop_g = jnp.zeros((1,), dtype=jnp.float32)
    # SGCNDir (in direction)
    W_dir_in = jax.random.normal(ks[5], (D, D), dtype=jnp.float32) * 0.05
    b_lab_in = jnp.zeros((L, D), dtype=jnp.float32)
    W_dir_g_in = jax.random.normal(ks[6], (D, 1), dtype=jnp.float32) * 0.05
    b_lab_g_in = jnp.zeros((L, 1), dtype=jnp.float32)
    # SGCNDir (out direction, flipped edges)
    W_dir_out = jax.random.normal(ks[7], (D, D), dtype=jnp.float32) * 0.05
    b_lab_out = jnp.zeros((L, D), dtype=jnp.float32)
    W_dir_g_out = jax.random.normal(ks[8], (D, 1), dtype=jnp.float32) * 0.05
    b_lab_g_out = jnp.zeros((L, 1), dtype=jnp.float32)
    return {
        "x": x, "edge_index": edge_index, "edge_label": edge_label,
        "W_loop": W_loop, "b_loop": b_loop, "W_loop_g": W_loop_g, "b_loop_g": b_loop_g,
        "W_dir_in": W_dir_in, "b_lab_in": b_lab_in, "W_dir_g_in": W_dir_g_in, "b_lab_g_in": b_lab_g_in,
        "W_dir_out": W_dir_out, "b_lab_out": b_lab_out, "W_dir_g_out": W_dir_g_out, "b_lab_g_out": b_lab_g_out,
    }


def _sgcn_dir(x, src, dst, lab, W_dir, b_lab, W_dir_g, b_lab_g):
    # forward(): x = x @ W_dir, then message(): x_j = (x_t)[src] @ W_dir + b_lab[lab]
    xt = x @ W_dir
    b = b_lab[lab]
    bg = b_lab_g[lab]
    xj = xt[src] @ W_dir + b
    gate = jax.nn.sigmoid(xj @ W_dir_g + bg)
    xj = gate * xj
    # aggr='add' at destination nodes
    return jax.ops.segment_sum(xj, dst, num_segments=x.shape[0])


def reference(x, edge_index, edge_label,
              W_loop, b_loop, W_loop_g, b_loop_g,
              W_dir_in, b_lab_in, W_dir_g_in, b_lab_g_in,
              W_dir_out, b_lab_out, W_dir_g_out, b_lab_g_out):
    # SGCNLoop with gating
    x_loop = x @ W_loop.T + b_loop
    gate = jax.nn.sigmoid(x_loop @ W_loop_g.T + b_loop_g)
    x_loop = gate * x_loop
    src = edge_index[0]
    dst = edge_index[1]
    # conv_in: messages flow src -> dst
    x_in = _sgcn_dir(x, src, dst, edge_label, W_dir_in, b_lab_in, W_dir_g_in, b_lab_g_in)
    # conv_out: edge_index flipped along dim -2 (rows swapped)
    x_out = _sgcn_dir(x, dst, src, edge_label, W_dir_out, b_lab_out, W_dir_g_out, b_lab_g_out)
    return jax.nn.relu(x_loop + x_in + x_out)

if __name__ == "__main__":
    import jax
    _d = setup_inputs()
    print(jax.jit(kernel)(*tuple(_d.values())))

</pallas_src>

<mosaic_0001>
#map = affine_map<(d0, d1) -> (0, 0)>
#map1 = affine_map<(d0, d1) -> (0, 0, 0)>
module attributes {stable_mosaic.version = 14 : i64} {
  func.func @_edge_sc(%arg0: i32, %arg1: i32, %arg2: memref<10000x128xf32, #tpu.memory_space<hbm>>, %arg3: memref<10000x128xf32, #tpu.memory_space<hbm>>, %arg4: memref<32x125x80xi32, #tpu.memory_space<hbm>>, %arg5: memref<32x125x80xi32, #tpu.memory_space<hbm>>, %arg6: memref<10240x128xf32, #tpu.memory_space<hbm>>, %arg7: memref<10240x128xf32, #tpu.memory_space<hbm>>, %arg8: memref<125x80xi32, #tpu.memory_space<vmem>>, %arg9: memref<125x80xi32, #tpu.memory_space<vmem>>, %arg10: memref<80x128xf32, #tpu.memory_space<vmem>>, %arg11: memref<80x128xf32, #tpu.memory_space<vmem>>, %arg12: memref<64x128xf32, #tpu.memory_space<vmem>>, %arg13: memref<10240x128xf32, #tpu.memory_space<vmem_shared>>, %arg14: memref<!tpu.dma_semaphore, #tpu.memory_space<semaphore_mem>>, %arg15: memref<!tpu.dma_semaphore, #tpu.memory_space<semaphore_mem>>) attributes {dimension_semantics = [#tpu.dimension_semantics<core_parallel>, #tpu.dimension_semantics<subcore_parallel>], iteration_bounds = array<i64: 2, 16>, scalar_prefetch = 0 : i64, scratch_operands = 8 : i64, tpu.core_type = #tpu.core_type<sc_vector_subcore>, window_params = [{transform_indices = #map}, {transform_indices = #map}, {transform_indices = #map1}, {transform_indices = #map1}, {transform_indices = #map}, {transform_indices = #map}]} {
    %mul3A = arith.constant 16 : i32
    %mul3A_0 = arith.muli %arg0, %mul3A : i32
    %add3A = arith.addi %mul3A_0, %arg1 : i32
    %broadcast_in_dim3A = arith.constant 0.000000e+00 : f32
    %broadcast_in_dim3A_1 = vector.broadcast %broadcast_in_dim3A : f32 to vector<16xf32>
    %scan3A = arith.constant 0 : i32
    %scan3A_2 = arith.constant 0 : i32
    %scan3A_3 = arith.constant 64 : i32
    %scan3A_4 = arith.addi %scan3A_2, %scan3A_3 : i32
    %scan3A_5 = arith.constant 1 : i32
    scf.for %scan3A_94 = %scan3A_2 to %scan3A_4 step %scan3A_5  : i32 {
      %swap3A = arith.index_cast %scan3A_94 : i32 to index
      %swap3A_95 = arith.constant 0 : index
      %swap3A_96 = tpu.vector_load %arg12[%swap3A, %swap3A_95] {strides = array<i32>} : memref<64x128xf32, #tpu.memory_space<vmem>>, vector<1x16xf32>,
      %swap3A_97 = vector.shape_cast %swap3A_96 : vector<1x16xf32> to vector<16xf32>
      %swap3A_98 = vector.shape_cast %broadcast_in_dim3A_1 : vector<16xf32> to vector<1x16xf32>
      tpu.vector_store %arg12[%swap3A, %swap3A_95], %swap3A_98 {strides = array<i32>} : memref<64x128xf32, #tpu.memory_space<vmem>>, vector<1x16xf32>,
      %swap3A_99 = arith.index_cast %scan3A_94 : i32 to index
      %swap3A_100 = arith.constant 16 : index
      %swap3A_101 = tpu.vector_load %arg12[%swap3A_99, %swap3A_100] {strides = array<i32>} : memref<64x128xf32, #tpu.memory_space<vmem>>, vector<1x16xf32>,
      %swap3A_102 = vector.shape_cast %swap3A_101 : vector<1x16xf32> to vector<16xf32>
      %swap3A_103 = vector.shape_cast %broadcast_in_dim3A_1 : vector<16xf32> to vector<1x16xf32>
      tpu.vector_store %arg12[%swap3A_99, %swap3A_100], %swap3A_103 {strides = array<i32>} : memref<64x128xf32, #tpu.memory_space<vmem>>, vector<1x16xf32>,
      %swap3A_104 = arith.index_cast %scan3A_94 : i32 to index
      %swap3A_105 = arith.constant 32 : index
      %swap3A_106 = tpu.vector_load %arg12[%swap3A_104, %swap3A_105] {strides = array<i32>} : memref<64x128xf32, #tpu.memory_space<vmem>>, vector<1x16xf32>,
      %swap3A_107 = vector.shape_cast %swap3A_106 : vector<1x16xf32> to vector<16xf32>
      %swap3A_108 = vector.shape_cast %broadcast_in_dim3A_1 : vector<16xf32> to vector<1x16xf32>
      tpu.vector_store %arg12[%swap3A_104, %swap3A_105], %swap3A_108 {strides = array<i32>} : memref<64x128xf32, #tpu.memory_space<vmem>>, vector<1x16xf32>,
      %swap3A_109 = arith.index_cast %scan3A_94 : i32 to index
      %swap3A_110 = arith.constant 48 : index
      %swap3A_111 = tpu.vector_load %arg12[%swap3A_109, %swap3A_110] {strides = array<i32>} : memref<64x128xf32, #tpu.memory_space<vmem>>, vector<1x16xf32>,
      %swap3A_112 = vector.shape_cast %swap3A_111 : vector<1x16xf32> to vector<16xf32>
      %swap3A_113 = vector.shape_cast %broadcast_in_dim3A_1 : vector<16xf32> to vector<1x16xf32>
      tpu.vector_store %arg12[%swap3A_109, %swap3A_110], %swap3A_113 {strides = array<i32>} : memref<64x128xf32, #tpu.memory_space<vmem>>, vector<1x16xf32>,
      %swap3A_114 = arith.index_cast %scan3A_94 : i32 to index
      %swap3A_115 = arith.constant 64 : index
      %swap3A_116 = tpu.vector_load %arg12[%swap3A_114, %swap3A_115] {strides = array<i32>} : memref<64x128xf32, #tpu.memory_space<vmem>>, vector<1x16xf32>,
      %swap3A_117 = vector.shape_cast %swap3A_116 : vector<1x16xf32> to vector<16xf32>
      %swap3A_118 = vector.shape_cast %broadcast_in_dim3A_1 : vector<16xf32> to vector<1x16xf32>
      tpu.vector_store %arg12[%swap3A_114, %swap3A_115], %swap3A_118 {strides = array<i32>} : memref<64x128xf32, #tpu.memory_space<vmem>>, vector<1x16xf32>,
      %swap3A_119 = arith.index_cast %scan3A_94 : i32 to index
      %swap3A_120 = arith.constant 80 : index
      %swap3A_121 = tpu.vector_load %arg12[%swap3A_119, %swap3A_120] {strides = array<i32>} : memref<64x128xf32, #tpu.memory_space<vmem>>, vector<1x16xf32>,
      %swap3A_122 = vector.shape_cast %swap3A_121 : vector<1x16xf32> to vector<16xf32>
      %swap3A_123 = vector.shape_cast %broadcast_in_dim3A_1 : vector<16xf32> to vector<1x16xf32>
      tpu.vector_store %arg12[%swap3A_119, %swap3A_120], %swap3A_123 {strides = array<i32>} : memref<64x128xf32, #tpu.memory_space<vmem>>, vector<1x16xf32>,
      %swap3A_124 = arith.index_cast %scan3A_94 : i32 to index
      %swap3A_125 = arith.constant 96 : index
      %swap3A_126 = tpu.vector_load %arg12[%swap3A_124, %swap3A_125] {strides = array<i32>} : memref<64x128xf32, #tpu.memory_space<vmem>>, vector<1x16xf32>,
      %swap3A_127 = vector.shape_cast %swap3A_126 : vector<1x16xf32> to vector<16xf32>
      %swap3A_128 = vector.shape_cast %broadcast_in_dim3A_1 : vector<16xf32> to vector<1x16xf32>
      tpu.vector_store %arg12[%swap3A_124, %swap3A_125], %swap3A_128 {strides = array<i32>} : memref<64x128xf32, #tpu.memory_space<vmem>>, vector<1x16xf32>,
      %swap3A_129 = arith.index_cast %scan3A_94 : i32 to index
      %swap3A_130 = arith.constant 112 : index
      %swap3A_131 = tpu.vector_load %arg12[%swap3A_129, %swap3A_130] {strides = array<i32>} : memref<64x128xf32, #tpu.memory_space<vmem>>, vector<1x16xf32>,
      %swap3A_132 = vector.shape_cast %swap3A_131 : vector<1x16xf32> to vector<16xf32>
      %swap3A_133 = vector.shape_cast %broadcast_in_dim3A_1 : vector<16xf32> to vector<1x16xf32>
      tpu.vector_store %arg12[%swap3A_129, %swap3A_130], %swap3A_133 {strides = array<i32>} : memref<64x128xf32, #tpu.memory_space<vmem>>, vector<1x16xf32>,
    }
    %scan3A_6 = arith.constant 64 : i32
    %mul3A_7 = arith.constant 640 : i32
    %mul3A_8 = arith.muli %arg1, %mul3A_7 : i32
    %add3A_9 = arith.constant 0 : i32
    %add3A_10 = arith.addi %mul3A_8, %add3A_9 : i32
    "tpu.region"() ({
      %run_scoped3A_94 = tpu.sem_alloc : memref<!tpu.dma_semaphore, #tpu.memory_space<semaphore_mem>>
      %dma_start3A_95 = arith.constant 0 : i32
      %dma_start3A_96 = tpu.memref_slice %arg13[%add3A_10, %dma_start3A_95] : memref<10240x128xf32, #tpu.memory_space<vmem_shared>> -> memref<64x128xf32, #tpu.memory_space<vmem_shared>>
      %dma_start3A_97 = arith.constant 0 : i32
      %dma_start3A_98 = tpu.memref_slice %arg13[%add3A_10, %dma_start3A_97] : memref<10240x128xf32, #tpu.memory_space<vmem_shared>> -> memref<64x128xf32, #tpu.memory_space<vmem_shared>>
      tpu.enqueue_dma source(%arg12 : memref<64x128xf32, #tpu.memory_space<vmem>>) target(%dma_start3A_98 : memref<64x128xf32, #tpu.memory_space<vmem_shared>>) target_semaphore(%run_scoped3A_94 : memref<!tpu.dma_semaphore, #tpu.memory_space<semaphore_mem>>)
      %dma_wait3A_99 = arith.constant 0 : i32
      %dma_wait3A_100 = tpu.memref_slice %arg13[%add3A_10, %dma_wait3A_99] : memref<10240x128xf32, #tpu.memory_space<vmem_shared>> -> memref<64x128xf32, #tpu.memory_space<vmem_shared>>
      %dma_wait3A_101 = arith.constant 0 : i32
      %dma_wait3A_102 = tpu.memref_slice %arg13[%add3A_10, %dma_wait3A_101] : memref<10240x128xf32, #tpu.memory_space<vmem_shared>> -> memref<64x128xf32, #tpu.memory_space<vmem_shared>>
      tpu.wait_dma2 semaphore(%run_scoped3A_94 : memref<!tpu.dma_semaphore, #tpu.memory_space<semaphore_mem>>) src(%arg12 : memref<64x128xf32, #tpu.memory_space<vmem>>) dst(%dma_wait3A_102 : memref<64x128xf32, #tpu.memory_space<vmem_shared>>)
      tpu.yield
    }) : () -> ()
    %mul3A_11 = arith.constant 640 : i32
    %mul3A_12 = arith.muli %arg1, %mul3A_11 : i32
    %add3A_13 = arith.constant 64 : i32
    %add3A_14 = arith.addi %mul3A_12, %add3A_13 : i32
    "tpu.region"() ({
      %run_scoped3A_94 = tpu.sem_alloc : memref<!tpu.dma_semaphore, #tpu.memory_space<semaphore_mem>>
      %dma_start3A_95 = arith.constant 0 : i32
      %dma_start3A_96 = tpu.memref_slice %arg13[%add3A_14, %dma_start3A_95] : memref<10240x128xf32, #tpu.memory_space<vmem_shared>> -> memref<64x128xf32, #tpu.memory_space<vmem_shared>>
      %dma_start3A_97 = arith.constant 0 : i32
      %dma_start3A_98 = tpu.memref_slice %arg13[%add3A_14, %dma_start3A_97] : memref<10240x128xf32, #tpu.memory_space<vmem_shared>> -> memref<64x128xf32, #tpu.memory_space<vmem_shared>>
      tpu.enqueue_dma source(%arg12 : memref<64x128xf32, #tpu.memory_space<vmem>>) target(%dma_start3A_98 : memref<64x128xf32, #tpu.memory_space<vmem_shared>>) target_semaphore(%run_scoped3A_94 : memref<!tpu.dma_semaphore, #tpu.memory_space<semaphore_mem>>)
      %dma_wait3A_99 = arith.constant 0 : i32
      %dma_wait3A_100 = tpu.memref_slice %arg13[%add3A_14, %dma_wait3A_99] : memref<10240x128xf32, #tpu.memory_space<vmem_shared>> -> memref<64x128xf32, #tpu.memory_space<vmem_shared>>
      %dma_wait3A_101 = arith.constant 0 : i32
      %dma_wait3A_102 = tpu.memref_slice %arg13[%add3A_14, %dma_wait3A_101] : memref<10240x128xf32, #tpu.memory_space<vmem_shared>> -> memref<64x128xf32, #tpu.memory_space<vmem_shared>>
      tpu.wait_dma2 semaphore(%run_scoped3A_94 : memref<!tpu.dma_semaphore, #tpu.memory_space<semaphore_mem>>) src(%arg12 : memref<64x128xf32, #tpu.memory_space<vmem>>) dst(%dma_wait3A_102 : memref<64x128xf32, #tpu.memory_space<vmem_shared>>)
      tpu.yield
    }) : () -> ()
    %mul3A_15 = arith.constant 640 : i32
    %mul3A_16 = arith.muli %arg1, %mul3A_15 : i32
    %add3A_17 = arith.constant 128 : i32
    %add3A_18 = arith.addi %mul3A_16, %add3A_17 : i32
    "tpu.region"() ({
      %run_scoped3A_94 = tpu.sem_alloc : memref<!tpu.dma_semaphore, #tpu.memory_space<semaphore_mem>>
      %dma_start3A_95 = arith.constant 0 : i32
      %dma_start3A_96 = tpu.memref_slice %arg13[%add3A_18, %dma_start3A_95] : memref<10240x128xf32, #tpu.memory_space<vmem_shared>> -> memref<64x128xf32, #tpu.memory_space<vmem_shared>>
      %dma_start3A_97 = arith.constant 0 : i32
      %dma_start3A_98 = tpu.memref_slice %arg13[%add3A_18, %dma_start3A_97] : memref<10240x128xf32, #tpu.memory_space<vmem_shared>> -> memref<64x128xf32, #tpu.memory_space<vmem_shared>>
      tpu.enqueue_dma source(%arg12 : memref<64x128xf32, #tpu.memory_space<vmem>>) target(%dma_start3A_98 : memref<64x128xf32, #tpu.memory_space<vmem_shared>>) target_semaphore(%run_scoped3A_94 : memref<!tpu.dma_semaphore, #tpu.memory_space<semaphore_mem>>)
      %dma_wait3A_99 = arith.constant 0 : i32
      %dma_wait3A_100 = tpu.memref_slice %arg13[%add3A_18, %dma_wait3A_99] : memref<10240x128xf32, #tpu.memory_space<vmem_shared>> -> memref<64x128xf32, #tpu.memory_space<vmem_shared>>
      %dma_wait3A_101 = arith.constant 0 : i32
      %dma_wait3A_102 = tpu.memref_slice %arg13[%add3A_18, %dma_wait3A_101] : memref<10240x128xf32, #tpu.memory_space<vmem_shared>> -> memref<64x128xf32, #tpu.memory_space<vmem_shared>>
      tpu.wait_dma2 semaphore(%run_scoped3A_94 : memref<!tpu.dma_semaphore, #tpu.memory_space<semaphore_mem>>) src(%arg12 : memref<64x128xf32, #tpu.memory_space<vmem>>) dst(%dma_wait3A_102 : memref<64x128xf32, #tpu.memory_space<vmem_shared>>)
      tpu.yield
    }) : () -> ()
    %mul3A_19 = arith.constant 640 : i32
    %mul3A_20 = arith.muli %arg1, %mul3A_19 : i32
    %add3A_21 = arith.constant 192 : i32
    %add3A_22 = arith.addi %mul3A_20, %add3A_21 : i32
    "tpu.region"() ({
      %run_scoped3A_94 = tpu.sem_alloc : memref<!tpu.dma_semaphore, #tpu.memory_space<semaphore_mem>>
      %dma_start3A_95 = arith.constant 0 : i32
      %dma_start3A_96 = tpu.memref_slice %arg13[%add3A_22, %dma_start3A_95] : memref<10240x128xf32, #tpu.memory_space<vmem_shared>> -> memref<64x128xf32, #tpu.memory_space<vmem_shared>>
      %dma_start3A_97 = arith.constant 0 : i32
      %dma_start3A_98 = tpu.memref_slice %arg13[%add3A_22, %dma_start3A_97] : memref<10240x128xf32, #tpu.memory_space<vmem_shared>> -> memref<64x128xf32, #tpu.memory_space<vmem_shared>>
      tpu.enqueue_dma source(%arg12 : memref<64x128xf32, #tpu.memory_space<vmem>>) target(%dma_start3A_98 : memref<64x128xf32, #tpu.memory_space<vmem_shared>>) target_semaphore(%run_scoped3A_94 : memref<!tpu.dma_semaphore, #tpu.memory_space<semaphore_mem>>)
      %dma_wait3A_99 = arith.constant 0 : i32
      %dma_wait3A_100 = tpu.memref_slice %arg13[%add3A_22, %dma_wait3A_99] : memref<10240x128xf32, #tpu.memory_space<vmem_shared>> -> memref<64x128xf32, #tpu.memory_space<vmem_shared>>
      %dma_wait3A_101 = arith.constant 0 : i32
      %dma_wait3A_102 = tpu.memref_slice %arg13[%add3A_22, %dma_wait3A_101] : memref<10240x128xf32, #tpu.memory_space<vmem_shared>> -> memref<64x128xf32, #tpu.memory_space<vmem_shared>>
      tpu.wait_dma2 semaphore(%run_scoped3A_94 : memref<!tpu.dma_semaphore, #tpu.memory_space<semaphore_mem>>) src(%arg12 : memref<64x128xf32, #tpu.memory_space<vmem>>) dst(%dma_wait3A_102 : memref<64x128xf32, #tpu.memory_space<vmem_shared>>)
      tpu.yield
    }) : () -> ()
    %mul3A_23 = arith.constant 640 : i32
    %mul3A_24 = arith.muli %arg1, %mul3A_23 : i32
    %add3A_25 = arith.constant 256 : i32
    %add3A_26 = arith.addi %mul3A_24, %add3A_25 : i32
    "tpu.region"() ({
      %run_scoped3A_94 = tpu.sem_alloc : memref<!tpu.dma_semaphore, #tpu.memory_space<semaphore_mem>>
      %dma_start3A_95 = arith.constant 0 : i32
      %dma_start3A_96 = tpu.memref_slice %arg13[%add3A_26, %dma_start3A_95] : memref<10240x128xf32, #tpu.memory_space<vmem_shared>> -> memref<64x128xf32, #tpu.memory_space<vmem_shared>>
      %dma_start3A_97 = arith.constant 0 : i32
      %dma_start3A_98 = tpu.memref_slice %arg13[%add3A_26, %dma_start3A_97] : memref<10240x128xf32, #tpu.memory_space<vmem_shared>> -> memref<64x128xf32, #tpu.memory_space<vmem_shared>>
      tpu.enqueue_dma source(%arg12 : memref<64x128xf32, #tpu.memory_space<vmem>>) target(%dma_start3A_98 : memref<64x128xf32, #tpu.memory_space<vmem_shared>>) target_semaphore(%run_scoped3A_94 : memref<!tpu.dma_semaphore, #tpu.memory_space<semaphore_mem>>)
      %dma_wait3A_99 = arith.constant 0 : i32
      %dma_wait3A_100 = tpu.memref_slice %arg13[%add3A_26, %dma_wait3A_99] : memref<10240x128xf32, #tpu.memory_space<vmem_shared>> -> memref<64x128xf32, #tpu.memory_space<vmem_shared>>
      %dma_wait3A_101 = arith.constant 0 : i32
      %dma_wait3A_102 = tpu.memref_slice %arg13[%add3A_26, %dma_wait3A_101] : memref<10240x128xf32, #tpu.memory_space<vmem_shared>> -> memref<64x128xf32, #tpu.memory_space<vmem_shared>>
      tpu.wait_dma2 semaphore(%run_scoped3A_94 : memref<!tpu.dma_semaphore, #tpu.memory_space<semaphore_mem>>) src(%arg12 : memref<64x128xf32, #tpu.memory_space<vmem>>) dst(%dma_wait3A_102 : memref<64x128xf32, #tpu.memory_space<vmem_shared>>)
      tpu.yield
    }) : () -> ()
    %mul3A_27 = arith.constant 640 : i32
    %mul3A_28 = arith.muli %arg1, %mul3A_27 : i32
    %add3A_29 = arith.constant 320 : i32
    %add3A_30 = arith.addi %mul3A_28, %add3A_29 : i32
    "tpu.region"() ({
      %run_scoped3A_94 = tpu.sem_alloc : memref<!tpu.dma_semaphore, #tpu.memory_space<semaphore_mem>>
      %dma_start3A_95 = arith.constant 0 : i32
      %dma_start3A_96 = tpu.memref_slice %arg13[%add3A_30, %dma_start3A_95] : memref<10240x128xf32, #tpu.memory_space<vmem_shared>> -> memref<64x128xf32, #tpu.memory_space<vmem_shared>>
      %dma_start3A_97 = arith.constant 0 : i32
      %dma_start3A_98 = tpu.memref_slice %arg13[%add3A_30, %dma_start3A_97] : memref<10240x128xf32, #tpu.memory_space<vmem_shared>> -> memref<64x128xf32, #tpu.memory_space<vmem_shared>>
      tpu.enqueue_dma source(%arg12 : memref<64x128xf32, #tpu.memory_space<vmem>>) target(%dma_start3A_98 : memref<64x128xf32, #tpu.memory_space<vmem_shared>>) target_semaphore(%run_scoped3A_94 : memref<!tpu.dma_semaphore, #tpu.memory_space<semaphore_mem>>)
      %dma_wait3A_99 = arith.constant 0 : i32
      %dma_wait3A_100 = tpu.memref_slice %arg13[%add3A_30, %dma_wait3A_99] : memref<10240x128xf32, #tpu.memory_space<vmem_shared>> -> memref<64x128xf32, #tpu.memory_space<vmem_shared>>
      %dma_wait3A_101 = arith.constant 0 : i32
      %dma_wait3A_102 = tpu.memref_slice %arg13[%add3A_30, %dma_wait3A_101] : memref<10240x128xf32, #tpu.memory_space<vmem_shared>> -> memref<64x128xf32, #tpu.memory_space<vmem_shared>>
      tpu.wait_dma2 semaphore(%run_scoped3A_94 : memref<!tpu.dma_semaphore, #tpu.memory_space<semaphore_mem>>) src(%arg12 : memref<64x128xf32, #tpu.memory_space<vmem>>) dst(%dma_wait3A_102 : memref<64x128xf32, #tpu.memory_space<vmem_shared>>)
      tpu.yield
    }) : () -> ()
    %mul3A_31 = arith.constant 640 : i32
    %mul3A_32 = arith.muli %arg1, %mul3A_31 : i32
    %add3A_33 = arith.constant 384 : i32
    %add3A_34 = arith.addi %mul3A_32, %add3A_33 : i32
    "tpu.region"() ({
      %run_scoped3A_94 = tpu.sem_alloc : memref<!tpu.dma_semaphore, #tpu.memory_space<semaphore_mem>>
      %dma_start3A_95 = arith.constant 0 : i32
      %dma_start3A_96 = tpu.memref_slice %arg13[%add3A_34, %dma_start3A_95] : memref<10240x128xf32, #tpu.memory_space<vmem_shared>> -> memref<64x128xf32, #tpu.memory_space<vmem_shared>>
      %dma_start3A_97 = arith.constant 0 : i32
      %dma_start3A_98 = tpu.memref_slice %arg13[%add3A_34, %dma_start3A_97] : memref<10240x128xf32, #tpu.memory_space<vmem_shared>> -> memref<64x128xf32, #tpu.memory_space<vmem_shared>>
      tpu.enqueue_dma source(%arg12 : memref<64x128xf32, #tpu.memory_space<vmem>>) target(%dma_start3A_98 : memref<64x128xf32, #tpu.memory_space<vmem_shared>>) target_semaphore(%run_scoped3A_94 : memref<!tpu.dma_semaphore, #tpu.memory_space<semaphore_mem>>)
      %dma_wait3A_99 = arith.constant 0 : i32
      %dma_wait3A_100 = tpu.memref_slice %arg13[%add3A_34, %dma_wait3A_99] : memref<10240x128xf32, #tpu.memory_space<vmem_shared>> -> memref<64x128xf32, #tpu.memory_space<vmem_shared>>
      %dma_wait3A_101 = arith.constant 0 : i32
      %dma_wait3A_102 = tpu.memref_slice %arg13[%add3A_34, %dma_wait3A_101] : memref<10240x128xf32, #tpu.memory_space<vmem_shared>> -> memref<64x128xf32, #tpu.memory_space<vmem_shared>>
      tpu.wait_dma2 semaphore(%run_scoped3A_94 : memref<!tpu.dma_semaphore, #tpu.memory_space<semaphore_mem>>) src(%arg12 : memref<64x128xf32, #tpu.memory_space<vmem>>) dst(%dma_wait3A_102 : memref<64x128xf32, #tpu.memory_space<vmem_shared>>)
      tpu.yield
    }) : () -> ()
    %mul3A_35 = arith.constant 640 : i32
    %mul3A_36 = arith.muli %arg1, %mul3A_35 : i32
    %add3A_37 = arith.constant 448 : i32
    %add3A_38 = arith.addi %mul3A_36, %add3A_37 : i32
    "tpu.region"() ({
      %run_scoped3A_94 = tpu.sem_alloc : memref<!tpu.dma_semaphore, #tpu.memory_space<semaphore_mem>>
      %dma_start3A_95 = arith.constant 0 : i32
      %dma_start3A_96 = tpu.memref_slice %arg13[%add3A_38, %dma_start3A_95] : memref<10240x128xf32, #tpu.memory_space<vmem_shared>> -> memref<64x128xf32, #tpu.memory_space<vmem_shared>>
      %dma_start3A_97 = arith.constant 0 : i32
      %dma_start3A_98 = tpu.memref_slice %arg13[%add3A_38, %dma_start3A_97] : memref<10240x128xf32, #tpu.memory_space<vmem_shared>> -> memref<64x128xf32, #tpu.memory_space<vmem_shared>>
      tpu.enqueue_dma source(%arg12 : memref<64x128xf32, #tpu.memory_space<vmem>>) target(%dma_start3A_98 : memref<64x128xf32, #tpu.memory_space<vmem_shared>>) target_semaphore(%run_scoped3A_94 : memref<!tpu.dma_semaphore, #tpu.memory_space<semaphore_mem>>)
      %dma_wait3A_99 = arith.constant 0 : i32
      %dma_wait3A_100 = tpu.memref_slice %arg13[%add3A_38, %dma_wait3A_99] : memref<10240x128xf32, #tpu.memory_space<vmem_shared>> -> memref<64x128xf32, #tpu.memory_space<vmem_shared>>
      %dma_wait3A_101 = arith.constant 0 : i32
      %dma_wait3A_102 = tpu.memref_slice %arg13[%add3A_38, %dma_wait3A_101] : memref<10240x128xf32, #tpu.memory_space<vmem_shared>> -> memref<64x128xf32, #tpu.memory_space<vmem_shared>>
      tpu.wait_dma2 semaphore(%run_scoped3A_94 : memref<!tpu.dma_semaphore, #tpu.memory_space<semaphore_mem>>) src(%arg12 : memref<64x128xf32, #tpu.memory_space<vmem>>) dst(%dma_wait3A_102 : memref<64x128xf32, #tpu.memory_space<vmem_shared>>)
      tpu.yield
    }) : () -> ()
    %mul3A_39 = arith.constant 640 : i32
    %mul3A_40 = arith.muli %arg1, %mul3A_39 : i32
    %add3A_41 = arith.constant 512 : i32
    %add3A_42 = arith.addi %mul3A_40, %add3A_41 : i32
    "tpu.region"() ({
      %run_scoped3A_94 = tpu.sem_alloc : memref<!tpu.dma_semaphore, #tpu.memory_space<semaphore_mem>>
      %dma_start3A_95 = arith.constant 0 : i32
      %dma_start3A_96 = tpu.memref_slice %arg13[%add3A_42, %dma_start3A_95] : memref<10240x128xf32, #tpu.memory_space<vmem_shared>> -> memref<64x128xf32, #tpu.memory_space<vmem_shared>>
      %dma_start3A_97 = arith.constant 0 : i32
      %dma_start3A_98 = tpu.memref_slice %arg13[%add3A_42, %dma_start3A_97] : memref<10240x128xf32, #tpu.memory_space<vmem_shared>> -> memref<64x128xf32, #tpu.memory_space<vmem_shared>>
      tpu.enqueue_dma source(%arg12 : memref<64x128xf32, #tpu.memory_space<vmem>>) target(%dma_start3A_98 : memref<64x128xf32, #tpu.memory_space<vmem_shared>>) target_semaphore(%run_scoped3A_94 : memref<!tpu.dma_semaphore, #tpu.memory_space<semaphore_mem>>)
      %dma_wait3A_99 = arith.constant 0 : i32
      %dma_wait3A_100 = tpu.memref_slice %arg13[%add3A_42, %dma_wait3A_99] : memref<10240x128xf32, #tpu.memory_space<vmem_shared>> -> memref<64x128xf32, #tpu.memory_space<vmem_shared>>
      %dma_wait3A_101 = arith.constant 0 : i32
      %dma_wait3A_102 = tpu.memref_slice %arg13[%add3A_42, %dma_wait3A_101] : memref<10240x128xf32, #tpu.memory_space<vmem_shared>> -> memref<64x128xf32, #tpu.memory_space<vmem_shared>>
      tpu.wait_dma2 semaphore(%run_scoped3A_94 : memref<!tpu.dma_semaphore, #tpu.memory_space<semaphore_mem>>) src(%arg12 : memref<64x128xf32, #tpu.memory_space<vmem>>) dst(%dma_wait3A_102 : memref<64x128xf32, #tpu.memory_space<vmem_shared>>)
      tpu.yield
    }) : () -> ()
    %mul3A_43 = arith.constant 640 : i32
    %mul3A_44 = arith.muli %arg1, %mul3A_43 : i32
    %add3A_45 = arith.constant 576 : i32
    %add3A_46 = arith.addi %mul3A_44, %add3A_45 : i32
    "tpu.region"() ({
      %run_scoped3A_94 = tpu.sem_alloc : memref<!tpu.dma_semaphore, #tpu.memory_space<semaphore_mem>>
      %dma_start3A_95 = arith.constant 0 : i32
      %dma_start3A_96 = tpu.memref_slice %arg13[%add3A_46, %dma_start3A_95] : memref<10240x128xf32, #tpu.memory_space<vmem_shared>> -> memref<64x128xf32, #tpu.memory_space<vmem_shared>>
      %dma_start3A_97 = arith.constant 0 : i32
      %dma_start3A_98 = tpu.memref_slice %arg13[%add3A_46, %dma_start3A_97] : memref<10240x128xf32, #tpu.memory_space<vmem_shared>> -> memref<64x128xf32, #tpu.memory_space<vmem_shared>>
      tpu.enqueue_dma source(%arg12 : memref<64x128xf32, #tpu.memory_space<vmem>>) target(%dma_start3A_98 : memref<64x128xf32, #tpu.memory_space<vmem_shared>>) target_semaphore(%run_scoped3A_94 : memref<!tpu.dma_semaphore, #tpu.memory_space<semaphore_mem>>)
      %dma_wait3A_99 = arith.constant 0 : i32
      %dma_wait3A_100 = tpu.memref_slice %arg13[%add3A_46, %dma_wait3A_99] : memref<10240x128xf32, #tpu.memory_space<vmem_shared>> -> memref<64x128xf32, #tpu.memory_space<vmem_shared>>
      %dma_wait3A_101 = arith.constant 0 : i32
      %dma_wait3A_102 = tpu.memref_slice %arg13[%add3A_46, %dma_wait3A_101] : memref<10240x128xf32, #tpu.memory_space<vmem_shared>> -> memref<64x128xf32, #tpu.memory_space<vmem_shared>>
      tpu.wait_dma2 semaphore(%run_scoped3A_94 : memref<!tpu.dma_semaphore, #tpu.memory_space<semaphore_mem>>) src(%arg12 : memref<64x128xf32, #tpu.memory_space<vmem>>) dst(%dma_wait3A_102 : memref<64x128xf32, #tpu.memory_space<vmem_shared>>)
      tpu.yield
    }) : () -> ()
    "tpu.region"() ({
      %run_scoped3A_94 = tpu.sem_alloc : memref<!tpu.dma_semaphore, #tpu.memory_space<semaphore_mem>>
      %dma_start3A_95 = arith.constant 0 : i32
      %dma_start3A_96 = arith.constant 0 : i32
      %dma_start3A_97 = tpu.memref_slice %arg4[%add3A, %dma_start3A_95, %dma_start3A_96] : memref<32x125x80xi32, #tpu.memory_space<hbm>> -> memref<1x125x80xi32, #tpu.memory_space<hbm>>
      %dma_start3A_98 = tpu.memref_squeeze %dma_start3A_97 : memref<1x125x80xi32, #tpu.memory_space<hbm>> -> memref<125x80xi32, #tpu.memory_space<hbm>>
      %dma_start3A_99 = arith.constant 0 : i32
      %dma_start3A_100 = arith.constant 0 : i32
      %dma_start3A_101 = tpu.memref_slice %arg4[%add3A, %dma_start3A_99, %dma_start3A_100] : memref<32x125x80xi32, #tpu.memory_space<hbm>> -> memref<1x125x80xi32, #tpu.memory_space<hbm>>
      %dma_start3A_102 = tpu.memref_squeeze %dma_start3A_101 : memref<1x125x80xi32, #tpu.memory_space<hbm>> -> memref<125x80xi32, #tpu.memory_space<hbm>>
      tpu.enqueue_dma source(%dma_start3A_102 : memref<125x80xi32, #tpu.memory_space<hbm>>) target(%arg8 : memref<125x80xi32, #tpu.memory_space<vmem>>) target_semaphore(%run_scoped3A_94 : memref<!tpu.dma_semaphore, #tpu.memory_space<semaphore_mem>>)
      %dma_wait3A_103 = arith.constant 0 : i32
      %dma_wait3A_104 = arith.constant 0 : i32
      %dma_wait3A_105 = tpu.memref_slice %arg4[%add3A, %dma_wait3A_103, %dma_wait3A_104] : memref<32x125x80xi32, #tpu.memory_space<hbm>> -> memref<1x125x80xi32, #tpu.memory_space<hbm>>
      %dma_wait3A_106 = tpu.memref_squeeze %dma_wait3A_105 : memref<1x125x80xi32, #tpu.memory_space<hbm>> -> memref<125x80xi32, #tpu.memory_space<hbm>>
      %dma_wait3A_107 = arith.constant 0 : i32
      %dma_wait3A_108 = arith.constant 0 : i32
      %dma_wait3A_109 = tpu.memref_slice %arg4[%add3A, %dma_wait3A_107, %dma_wait3A_108] : memref<32x125x80xi32, #tpu.memory_space<hbm>> -> memref<1x125x80xi32, #tpu.memory_space<hbm>>
      %dma_wait3A_110 = tpu.memref_squeeze %dma_wait3A_109 : memref<1x125x80xi32, #tpu.memory_space<hbm>> -> memref<125x80xi32, #tpu.memory_space<hbm>>
      tpu.wait_dma2 semaphore(%run_scoped3A_94 : memref<!tpu.dma_semaphore, #tpu.memory_space<semaphore_mem>>) src(%dma_wait3A_110 : memref<125x80xi32, #tpu.memory_space<hbm>>) dst(%arg8 : memref<125x80xi32, #tpu.memory_space<vmem>>)
      tpu.yield
    }) : () -> ()
    "tpu.region"() ({
      %run_scoped3A_94 = tpu.sem_alloc : memref<!tpu.dma_semaphore, #tpu.memory_space<semaphore_mem>>
      %dma_start3A_95 = arith.constant 0 : i32
      %dma_start3A_96 = arith.constant 0 : i32
      %dma_start3A_97 = tpu.memref_slice %arg5[%add3A, %dma_start3A_95, %dma_start3A_96] : memref<32x125x80xi32, #tpu.memory_space<hbm>> -> memref<1x125x80xi32, #tpu.memory_space<hbm>>
      %dma_start3A_98 = tpu.memref_squeeze %dma_start3A_97 : memref<1x125x80xi32, #tpu.memory_space<hbm>> -> memref<125x80xi32, #tpu.memory_space<hbm>>
      %dma_start3A_99 = arith.constant 0 : i32
      %dma_start3A_100 = arith.constant 0 : i32
      %dma_start3A_101 = tpu.memref_slice %arg5[%add3A, %dma_start3A_99, %dma_start3A_100] : memref<32x125x80xi32, #tpu.memory_space<hbm>> -> memref<1x125x80xi32, #tpu.memory_space<hbm>>
      %dma_start3A_102 = tpu.memref_squeeze %dma_start3A_101 : memref<1x125x80xi32, #tpu.memory_space<hbm>> -> memref<125x80xi32, #tpu.memory_space<hbm>>
      tpu.enqueue_dma source(%dma_start3A_102 : memref<125x80xi32, #tpu.memory_space<hbm>>) target(%arg9 : memref<125x80xi32, #tpu.memory_space<vmem>>) target_semaphore(%run_scoped3A_94 : memref<!tpu.dma_semaphore, #tpu.memory_space<semaphore_mem>>)
      %dma_wait3A_103 = arith.constant 0 : i32
      %dma_wait3A_104 = arith.constant 0 : i32
      %dma_wait3A_105 = tpu.memref_slice %arg5[%add3A, %dma_wait3A_103, %dma_wait3A_104] : memref<32x125x80xi32, #tpu.memory_space<hbm>> -> memref<1x125x80xi32, #tpu.memory_space<hbm>>
      %dma_wait3A_106 = tpu.memref_squeeze %dma_wait3A_105 : memref<1x125x80xi32, #tpu.memory_space<hbm>> -> memref<125x80xi32, #tpu.memory_space<hbm>>
      %dma_wait3A_107 = arith.constant 0 : i32
      %dma_wait3A_108 = arith.constant 0 : i32
      %dma_wait3A_109 = tpu.memref_slice %arg5[%add3A, %dma_wait3A_107, %dma_wait3A_108] : memref<32x125x80xi32, #tpu.memory_space<hbm>> -> memref<1x125x80xi32, #tpu.memory_space<hbm>>
      %dma_wait3A_110 = tpu.memref_squeeze %dma_wait3A_109 : memref<1x125x80xi32, #tpu.memory_space<hbm>> -> memref<125x80xi32, #tpu.memory_space<hbm>>
      tpu.wait_dma2 semaphore(%run_scoped3A_94 : memref<!tpu.dma_semaphore, #tpu.memory_space<semaphore_mem>>) src(%dma_wait3A_110 : memref<125x80xi32, #tpu.memory_space<hbm>>) dst(%arg9 : memref<125x80xi32, #tpu.memory_space<vmem>>)
      tpu.yield
    }) : () -> ()
    %barrier3A = arith.constant 0 : index
    tpu.barrier barrier_id(%barrier3A)
    %dma_start3A = arith.constant 0 : i32
    %dma_start3A_47 = arith.constant 0 : i32
    %dma_start3A_48 = tpu.memref_slice %arg8[%dma_start3A, %dma_start3A_47] : memref<125x80xi32, #tpu.memory_space<vmem>> -> memref<1x80xi32, #tpu.memory_space<vmem>>
    %dma_start3A_49 = tpu.memref_squeeze %dma_start3A_48 : memref<1x80xi32, #tpu.memory_space<vmem>> -> memref<80xi32, #tpu.memory_space<vmem>>
    %dma_start3A_50 = arith.constant 0 : i32
    %dma_start3A_51 = arith.constant 0 : i32
    %dma_start3A_52 = tpu.memref_slice %arg2[%dma_start3A_50, %dma_start3A_51] : memref<10000x128xf32, #tpu.memory_space<hbm>> -> memref<10000x128xf32, #tpu.memory_space<hbm>>
    tpu.enqueue_indirect_dma source(%dma_start3A_52 : memref<10000x128xf32, #tpu.memory_space<hbm>>) target(%arg10 : memref<80x128xf32, #tpu.memory_space<vmem>>) offsets(%dma_start3A_49 : memref<80xi32, #tpu.memory_space<vmem>>) semaphore(%arg14 : memref<!tpu.dma_semaphore, #tpu.memory_space<semaphore_mem>>)
    %scan3A_53 = arith.constant 0 : i32
    %scan3A_54 = arith.constant 0 : i32
    %scan3A_55 = arith.constant 62 : i32
    %scan3A_56 = arith.addi %scan3A_54, %scan3A_55 : i32
    %scan3A_57 = arith.constant 1 : i32
    scf.for %scan3A_94 = %scan3A_54 to %scan3A_56 step %scan3A_57  : i32 {
      %mul3A_95 = arith.constant 2 : i32
      %mul3A_96 = arith.muli %mul3A_95, %scan3A_94 : i32
      %add3A_97 = arith.constant 1 : i32
      %add3A_98 = arith.addi %mul3A_96, %add3A_97 : i32
      %dma_start3A_99 = arith.constant 0 : i32
      %dma_start3A_100 = tpu.memref_slice %arg8[%add3A_98, %dma_start3A_99] : memref<125x80xi32, #tpu.memory_space<vmem>> -> memref<1x80xi32, #tpu.memory_space<vmem>>
      %dma_start3A_101 = tpu.memref_squeeze %dma_start3A_100 : memref<1x80xi32, #tpu.memory_space<vmem>> -> memref<80xi32, #tpu.memory_space<vmem>>
      %dma_start3A_102 = arith.constant 0 : i32
      %dma_start3A_103 = arith.constant 0 : i32
      %dma_start3A_104 = tpu.memref_slice %arg2[%dma_start3A_102, %dma_start3A_103] : memref<10000x128xf32, #tpu.memory_space<hbm>> -> memref<10000x128xf32, #tpu.memory_space<hbm>>
      tpu.enqueue_indirect_dma source(%dma_start3A_104 : memref<10000x128xf32, #tpu.memory_space<hbm>>) target(%arg11 : memref<80x128xf32, #tpu.memory_space<vmem>>) offsets(%dma_start3A_101 : memref<80xi32, #tpu.memory_space<vmem>>) semaphore(%arg15 : memref<!tpu.dma_semaphore, #tpu.memory_space<semaphore_mem>>)
      %dma_wait3A_105 = arith.constant 0 : i32
      %dma_wait3A_106 = tpu.memref_slice %arg8[%mul3A_96, %dma_wait3A_105] : memref<125x80xi32, #tpu.memory_space<vmem>> -> memref<1x80xi32, #tpu.memory_space<vmem>>
      %dma_wait3A_107 = tpu.memref_squeeze %dma_wait3A_106 : memref<1x80xi32, #tpu.memory_space<vmem>> -> memref<80xi32, #tpu.memory_space<vmem>>
      %dma_wait3A_108 = arith.constant 0 : i32
      %dma_wait3A_109 = arith.constant 0 : i32
      %dma_wait3A_110 = tpu.memref_slice %arg2[%dma_wait3A_108, %dma_wait3A_109] : memref<10000x128xf32, #tpu.memory_space<hbm>> -> memref<10000x128xf32, #tpu.memory_space<hbm>>
      tpu.wait_indirect_dma semaphore(%arg14 : memref<!tpu.dma_semaphore, #tpu.memory_space<semaphore_mem>>) src(%dma_wait3A_110 : memref<10000x128xf32, #tpu.memory_space<hbm>>) dst(%arg10 : memref<80x128xf32, #tpu.memory_space<vmem>>)
      "tpu.region"() ({
        %run_scoped3A_129 = tpu.sem_alloc : memref<!tpu.dma_semaphore, #tpu.memory_space<semaphore_mem>>
        %dma_start3A_130 = arith.constant 0 : i32
        %dma_start3A_131 = tpu.memref_slice %arg9[%mul3A_96, %dma_start3A_130] : memref<125x80xi32, #tpu.memory_space<vmem>> -> memref<1x80xi32, #tpu.memory_space<vmem>>
        %dma_start3A_132 = tpu.memref_squeeze %dma_start3A_131 : memref<1x80xi32, #tpu.memory_space<vmem>> -> memref<80xi32, #tpu.memory_space<vmem>>
        %dma_start3A_133 = arith.constant 0 : i32
        %dma_start3A_134 = arith.constant 0 : i32
        %dma_start3A_135 = tpu.memref_slice %arg13[%dma_start3A_133, %dma_start3A_134] : memref<10240x128xf32, #tpu.memory_space<vmem_shared>> -> memref<10240x128xf32, #tpu.memory_space<vmem_shared>>
        tpu.enqueue_indirect_dma source(%arg10 : memref<80x128xf32, #tpu.memory_space<vmem>>) target(%dma_start3A_135 : memref<10240x128xf32, #tpu.memory_space<vmem_shared>>) offsets(%dma_start3A_132 : memref<80xi32, #tpu.memory_space<vmem>>) semaphore(%run_scoped3A_129 : memref<!tpu.dma_semaphore, #tpu.memory_space<semaphore_mem>>) {add = true}
        %dma_wait3A_136 = arith.constant 0 : i32
        %dma_wait3A_137 = tpu.memref_slice %arg9[%mul3A_96, %dma_wait3A_136] : memref<125x80xi32, #tpu.memory_space<vmem>> -> memref<1x80xi32, #tpu.memory_space<vmem>>
        %dma_wait3A_138 = tpu.memref_squeeze %dma_wait3A_137 : memref<1x80xi32, #tpu.memory_space<vmem>> -> memref<80xi32, #tpu.memory_space<vmem>>
        %dma_wait3A_139 = arith.constant 0 : i32
        %dma_wait3A_140 = arith.constant 0 : i32
        %dma_wait3A_141 = tpu.memref_slice %arg13[%dma_wait3A_139, %dma_wait3A_140] : memref<10240x128xf32, #tpu.memory_space<vmem_shared>> -> memref<10240x128xf32, #tpu.memory_space<vmem_shared>>
        tpu.wait_indirect_dma semaphore(%run_scoped3A_129 : memref<!tpu.dma_semaphore, #tpu.memory_space<semaphore_mem>>) src(%arg10 : memref<80x128xf32, #tpu.memory_space<vmem>>) dst(%dma_wait3A_141 : memref<10240x128xf32, #tpu.memory_space<vmem_shared>>)
        tpu.yield
      }) : () -> ()
      %add3A_111 = arith.constant 2 : i32
      %add3A_112 = arith.addi %mul3A_96, %add3A_111 : i32
      %dma_start3A_113 = arith.constant 0 : i32
      %dma_start3A_114 = tpu.memref_slice %arg8[%add3A_112, %dma_start3A_113] : memref<125x80xi32, #tpu.memory_space<vmem>> -> memref<1x80xi32, #tpu.memory_space<vmem>>
      %dma_start3A_115 = tpu.memref_squeeze %dma_start3A_114 : memref<1x80xi32, #tpu.memory_space<vmem>> -> memref<80xi32, #tpu.memory_space<vmem>>
      %dma_start3A_116 = arith.constant 0 : i32
      %dma_start3A_117 = arith.constant 0 : i32
      %dma_start3A_118 = tpu.memref_slice %arg2[%dma_start3A_116, %dma_start3A_117] : memref<10000x128xf32, #tpu.memory_space<hbm>> -> memref<10000x128xf32, #tpu.memory_space<hbm>>
      tpu.enqueue_indirect_dma source(%dma_start3A_118 : memref<10000x128xf32, #tpu.memory_space<hbm>>) target(%arg10 : memref<80x128xf32, #tpu.memory_space<vmem>>) offsets(%dma_start3A_115 : memref<80xi32, #tpu.memory_space<vmem>>) semaphore(%arg14 : memref<!tpu.dma_semaphore, #tpu.memory_space<semaphore_mem>>)
      %add3A_119 = arith.constant 1 : i32
      %add3A_120 = arith.addi %mul3A_96, %add3A_119 : i32
      %dma_wait3A_121 = arith.constant 0 : i32
      %dma_wait3A_122 = tpu.memref_slice %arg8[%add3A_120, %dma_wait3A_121] : memref<125x80xi32, #tpu.memory_space<vmem>> -> memref<1x80xi32, #tpu.memory_space<vmem>>
      %dma_wait3A_123 = tpu.memref_squeeze %dma_wait3A_122 : memref<1x80xi32, #tpu.memory_space<vmem>> -> memref<80xi32, #tpu.memory_space<vmem>>
      %dma_wait3A_124 = arith.constant 0 : i32
      %dma_wait3A_125 = arith.constant 0 : i32
      %dma_wait3A_126 = tpu.memref_slice %arg2[%dma_wait3A_124, %dma_wait3A_125] : memref<10000x128xf32, #tpu.memory_space<hbm>> -> memref<10000x128xf32, #tpu.memory_space<hbm>>
      tpu.wait_indirect_dma semaphore(%arg15 : memref<!tpu.dma_semaphore, #tpu.memory_space<semaphore_mem>>) src(%dma_wait3A_126 : memref<10000x128xf32, #tpu.memory_space<hbm>>) dst(%arg11 : memref<80x128xf32, #tpu.memory_space<vmem>>)
      %add3A_127 = arith.constant 1 : i32
      %add3A_128 = arith.addi %mul3A_96, %add3A_127 : i32
      "tpu.region"() ({
        %run_scoped3A_129 = tpu.sem_alloc : memref<!tpu.dma_semaphore, #tpu.memory_space<semaphore_mem>>
        %dma_start3A_130 = arith.constant 0 : i32
        %dma_start3A_131 = tpu.memref_slice %arg9[%add3A_128, %dma_start3A_130] : memref<125x80xi32, #tpu.memory_space<vmem>> -> memref<1x80xi32, #tpu.memory_space<vmem>>
        %dma_start3A_132 = tpu.memref_squeeze %dma_start3A_131 : memref<1x80xi32, #tpu.memory_space<vmem>> -> memref<80xi32, #tpu.memory_space<vmem>>
        %dma_start3A_133 = arith.constant 0 : i32
        %dma_start3A_134 = arith.constant 0 : i32
        %dma_start3A_135 = tpu.memref_slice %arg13[%dma_start3A_133, %dma_start3A_134] : memref<10240x128xf32, #tpu.memory_space<vmem_shared>> -> memref<10240x128xf32, #tpu.memory_space<vmem_shared>>
        tpu.enqueue_indirect_dma source(%arg11 : memref<80x128xf32, #tpu.memory_space<vmem>>) target(%dma_start3A_135 : memref<10240x128xf32, #tpu.memory_space<vmem_shared>>) offsets(%dma_start3A_132 : memref<80xi32, #tpu.memory_space<vmem>>) semaphore(%run_scoped3A_129 : memref<!tpu.dma_semaphore, #tpu.memory_space<semaphore_mem>>) {add = true}
        %dma_wait3A_136 = arith.constant 0 : i32
        %dma_wait3A_137 = tpu.memref_slice %arg9[%add3A_128, %dma_wait3A_136] : memref<125x80xi32, #tpu.memory_space<vmem>> -> memref<1x80xi32, #tpu.memory_space<vmem>>
        %dma_wait3A_138 = tpu.memref_squeeze %dma_wait3A_137 : memref<1x80xi32, #tpu.memory_space<vmem>> -> memref<80xi32, #tpu.memory_space<vmem>>
        %dma_wait3A_139 = arith.constant 0 : i32
        %dma_wait3A_140 = arith.constant 0 : i32
        %dma_wait3A_141 = tpu.memref_slice %arg13[%dma_wait3A_139, %dma_wait3A_140] : memref<10240x128xf32, #tpu.memory_space<vmem_shared>> -> memref<10240x128xf32, #tpu.memory_space<vmem_shared>>
        tpu.wait_indirect_dma semaphore(%run_scoped3A_129 : memref<!tpu.dma_semaphore, #tpu.memory_space<semaphore_mem>>) src(%arg11 : memref<80x128xf32, #tpu.memory_space<vmem>>) dst(%dma_wait3A_141 : memref<10240x128xf32, #tpu.memory_space<vmem_shared>>)
        tpu.yield
      }) : () -> ()
    }
    %scan3A_58 = arith.constant 62 : i32
    %dma_wait3A = arith.constant 124 : i32
    %dma_wait3A_59 = arith.constant 0 : i32
    %dma_wait3A_60 = tpu.memref_slice %arg8[%dma_wait3A, %dma_wait3A_59] : memref<125x80xi32, #tpu.memory_space<vmem>> -> memref<1x80xi32, #tpu.memory_space<vmem>>
    %dma_wait3A_61 = tpu.memref_squeeze %dma_wait3A_60 : memref<1x80xi32, #tpu.memory_space<vmem>> -> memref<80xi32, #tpu.memory_space<vmem>>
    %dma_wait3A_62 = arith.constant 0 : i32
    %dma_wait3A_63 = arith.constant 0 : i32
    %dma_wait3A_64 = tpu.memref_slice %arg2[%dma_wait3A_62, %dma_wait3A_63] : memref<10000x128xf32, #tpu.memory_space<hbm>> -> memref<10000x128xf32, #tpu.memory_space<hbm>>
    tpu.wait_indirect_dma semaphore(%arg14 : memref<!tpu.dma_semaphore, #tpu.memory_space<semaphore_mem>>) src(%dma_wait3A_64 : memref<10000x128xf32, #tpu.memory_space<hbm>>) dst(%arg10 : memref<80x128xf32, #tpu.memory_space<vmem>>)
    %run_scoped3A = arith.constant 124 : i32
    "tpu.region"() ({
      %run_scoped3A_94 = tpu.sem_alloc : memref<!tpu.dma_semaphore, #tpu.memory_space<semaphore_mem>>
      %dma_start3A_95 = arith.constant 0 : i32
      %dma_start3A_96 = tpu.memref_slice %arg9[%run_scoped3A, %dma_start3A_95] : memref<125x80xi32, #tpu.memory_space<vmem>> -> memref<1x80xi32, #tpu.memory_space<vmem>>
      %dma_start3A_97 = tpu.memref_squeeze %dma_start3A_96 : memref<1x80xi32, #tpu.memory_space<vmem>> -> memref<80xi32, #tpu.memory_space<vmem>>
      %dma_start3A_98 = arith.constant 0 : i32
      %dma_start3A_99 = arith.constant 0 : i32
      %dma_start3A_100 = tpu.memref_slice %arg13[%dma_start3A_98, %dma_start3A_99] : memref<10240x128xf32, #tpu.memory_space<vmem_shared>> -> memref<10240x128xf32, #tpu.memory_space<vmem_shared>>
      tpu.enqueue_indirect_dma source(%arg10 : memref<80x128xf32, #tpu.memory_space<vmem>>) target(%dma_start3A_100 : memref<10240x128xf32, #tpu.memory_space<vmem_shared>>) offsets(%dma_start3A_97 : memref<80xi32, #tpu.memory_space<vmem>>) semaphore(%run_scoped3A_94 : memref<!tpu.dma_semaphore, #tpu.memory_space<semaphore_mem>>) {add = true}
      %dma_wait3A_101 = arith.constant 0 : i32
      %dma_wait3A_102 = tpu.memref_slice %arg9[%run_scoped3A, %dma_wait3A_101] : memref<125x80xi32, #tpu.memory_space<vmem>> -> memref<1x80xi32, #tpu.memory_space<vmem>>
      %dma_wait3A_103 = tpu.memref_squeeze %dma_wait3A_102 : memref<1x80xi32, #tpu.memory_space<vmem>> -> memref<80xi32, #tpu.memory_space<vmem>>
      %dma_wait3A_104 = arith.constant 0 : i32
      %dma_wait3A_105 = arith.constant 0 : i32
      %dma_wait3A_106 = tpu.memref_slice %arg13[%dma_wait3A_104, %dma_wait3A_105] : memref<10240x128xf32, #tpu.memory_space<vmem_shared>> -> memref<10240x128xf32, #tpu.memory_space<vmem_shared>>
      tpu.wait_indirect_dma semaphore(%run_scoped3A_94 : memref<!tpu.dma_semaphore, #tpu.memory_space<semaphore_mem>>) src(%arg10 : memref<80x128xf32, #tpu.memory_space<vmem>>) dst(%dma_wait3A_106 : memref<10240x128xf32, #tpu.memory_space<vmem_shared>>)
      tpu.yield
    }) : () -> ()
    %dma_start3A_65 = arith.constant 0 : i32
    %dma_start3A_66 = arith.constant 0 : i32
    %dma_start3A_67 = tpu.memref_slice %arg9[%dma_start3A_65, %dma_start3A_66] : memref<125x80xi32, #tpu.memory_space<vmem>> -> memref<1x80xi32, #tpu.memory_space<vmem>>
    %dma_start3A_68 = tpu.memref_squeeze %dma_start3A_67 : memref<1x80xi32, #tpu.memory_space<vmem>> -> memref<80xi32, #tpu.memory_space<vmem>>
    %dma_start3A_69 = arith.constant 0 : i32
    %dma_start3A_70 = arith.constant 0 : i32
    %dma_start3A_71 = tpu.memref_slice %arg3[%dma_start3A_69, %dma_start3A_70] : memref<10000x128xf32, #tpu.memory_space<hbm>> -> memref<10000x128xf32, #tpu.memory_space<hbm>>
    tpu.enqueue_indirect_dma source(%dma_start3A_71 : memref<10000x128xf32, #tpu.memory_space<hbm>>) target(%arg10 : memref<80x128xf32, #tpu.memory_space<vmem>>) offsets(%dma_start3A_68 : memref<80xi32, #tpu.memory_space<vmem>>) semaphore(%arg14 : memref<!tpu.dma_semaphore, #tpu.memory_space<semaphore_mem>>)
    %scan3A_72 = arith.constant 0 : i32
    %scan3A_73 = arith.constant 0 : i32
    %scan3A_74 = arith.constant 62 : i32
    %scan3A_75 = arith.addi %scan3A_73, %scan3A_74 : i32
    %scan3A_76 = arith.constant 1 : i32
    scf.for %scan3A_94 = %scan3A_73 to %scan3A_75 step %scan3A_76  : i32 {
      %mul3A_95 = arith.constant 2 : i32
      %mul3A_96 = arith.muli %mul3A_95, %scan3A_94 : i32
      %add3A_97 = arith.constant 1 : i32
      %add3A_98 = arith.addi %mul3A_96, %add3A_97 : i32
      %dma_start3A_99 = arith.constant 0 : i32
      %dma_start3A_100 = tpu.memref_slice %arg9[%add3A_98, %dma_start3A_99] : memref<125x80xi32, #tpu.memory_space<vmem>> -> memref<1x80xi32, #tpu.memory_space<vmem>>
      %dma_start3A_101 = tpu.memref_squeeze %dma_start3A_100 : memref<1x80xi32, #tpu.memory_space<vmem>> -> memref<80xi32, #tpu.memory_space<vmem>>
      %dma_start3A_102 = arith.constant 0 : i32
      %dma_start3A_103 = arith.constant 0 : i32
      %dma_start3A_104 = tpu.memref_slice %arg3[%dma_start3A_102, %dma_start3A_103] : memref<10000x128xf32, #tpu.memory_space<hbm>> -> memref<10000x128xf32, #tpu.memory_space<hbm>>
      tpu.enqueue_indirect_dma source(%dma_start3A_104 : memref<10000x128xf32, #tpu.memory_space<hbm>>) target(%arg11 : memref<80x128xf32, #tpu.memory_space<vmem>>) offsets(%dma_start3A_101 : memref<80xi32, #tpu.memory_space<vmem>>) semaphore(%arg15 : memref<!tpu.dma_semaphore, #tpu.memory_space<semaphore_mem>>)
      %dma_wait3A_105 = arith.constant 0 : i32
      %dma_wait3A_106 = tpu.memref_slice %arg9[%mul3A_96, %dma_wait3A_105] : memref<125x80xi32, #tpu.memory_space<vmem>> -> memref<1x80xi32, #tpu.memory_space<vmem>>
      %dma_wait3A_107 = tpu.memref_squeeze %dma_wait3A_106 : memref<1x80xi32, #tpu.memory_space<vmem>> -> memref<80xi32, #tpu.memory_space<vmem>>
      %dma_wait3A_108 = arith.constant 0 : i32
      %dma_wait3A_109 = arith.constant 0 : i32
      %dma_wait3A_110 = tpu.memref_slice %arg3[%dma_wait3A_108, %dma_wait3A_109] : memref<10000x128xf32, #tpu.memory_space<hbm>> -> memref<10000x128xf32, #tpu.memory_space<hbm>>
      tpu.wait_indirect_dma semaphore(%arg14 : memref<!tpu.dma_semaphore, #tpu.memory_space<semaphore_mem>>) src(%dma_wait3A_110 : memref<10000x128xf32, #tpu.memory_space<hbm>>) dst(%arg10 : memref<80x128xf32, #tpu.memory_space<vmem>>)
      "tpu.region"() ({
        %run_scoped3A_129 = tpu.sem_alloc : memref<!tpu.dma_semaphore, #tpu.memory_space<semaphore_mem>>
        %dma_start3A_130 = arith.constant 0 : i32
        %dma_start3A_131 = tpu.memref_slice %arg8[%mul3A_96, %dma_start3A_130] : memref<125x80xi32, #tpu.memory_space<vmem>> -> memref<1x80xi32, #tpu.memory_space<vmem>>
        %dma_start3A_132 = tpu.memref_squeeze %dma_start3A_131 : memref<1x80xi32, #tpu.memory_space<vmem>> -> memref<80xi32, #tpu.memory_space<vmem>>
        %dma_start3A_133 = arith.constant 0 : i32
        %dma_start3A_134 = arith.constant 0 : i32
        %dma_start3A_135 = tpu.memref_slice %arg13[%dma_start3A_133, %dma_start3A_134] : memref<10240x128xf32, #tpu.memory_space<vmem_shared>> -> memref<10240x128xf32, #tpu.memory_space<vmem_shared>>
        tpu.enqueue_indirect_dma source(%arg10 : memref<80x128xf32, #tpu.memory_space<vmem>>) target(%dma_start3A_135 : memref<10240x128xf32, #tpu.memory_space<vmem_shared>>) offsets(%dma_start3A_132 : memref<80xi32, #tpu.memory_space<vmem>>) semaphore(%run_scoped3A_129 : memref<!tpu.dma_semaphore, #tpu.memory_space<semaphore_mem>>) {add = true}
        %dma_wait3A_136 = arith.constant 0 : i32
        %dma_wait3A_137 = tpu.memref_slice %arg8[%mul3A_96, %dma_wait3A_136] : memref<125x80xi32, #tpu.memory_space<vmem>> -> memref<1x80xi32, #tpu.memory_space<vmem>>
        %dma_wait3A_138 = tpu.memref_squeeze %dma_wait3A_137 : memref<1x80xi32, #tpu.memory_space<vmem>> -> memref<80xi32, #tpu.memory_space<vmem>>
        %dma_wait3A_139 = arith.constant 0 : i32
        %dma_wait3A_140 = arith.constant 0 : i32
        %dma_wait3A_141 = tpu.memref_slice %arg13[%dma_wait3A_139, %dma_wait3A_140] : memref<10240x128xf32, #tpu.memory_space<vmem_shared>> -> memref<10240x128xf32, #tpu.memory_space<vmem_shared>>
        tpu.wait_indirect_dma semaphore(%run_scoped3A_129 : memref<!tpu.dma_semaphore, #tpu.memory_space<semaphore_mem>>) src(%arg10 : memref<80x128xf32, #tpu.memory_space<vmem>>) dst(%dma_wait3A_141 : memref<10240x128xf32, #tpu.memory_space<vmem_shared>>)
        tpu.yield
      }) : () -> ()
      %add3A_111 = arith.constant 2 : i32
      %add3A_112 = arith.addi %mul3A_96, %add3A_111 : i32
      %dma_start3A_113 = arith.constant 0 : i32
      %dma_start3A_114 = tpu.memref_slice %arg9[%add3A_112, %dma_start3A_113] : memref<125x80xi32, #tpu.memory_space<vmem>> -> memref<1x80xi32, #tpu.memory_space<vmem>>
      %dma_start3A_115 = tpu.memref_squeeze %dma_start3A_114 : memref<1x80xi32, #tpu.memory_space<vmem>> -> memref<80xi32, #tpu.memory_space<vmem>>
      %dma_start3A_116 = arith.constant 0 : i32
      %dma_start3A_117 = arith.constant 0 : i32
      %dma_start3A_118 = tpu.memref_slice %arg3[%dma_start3A_116, %dma_start3A_117] : memref<10000x128xf32, #tpu.memory_space<hbm>> -> memref<10000x128xf32, #tpu.memory_space<hbm>>
      tpu.enqueue_indirect_dma source(%dma_start3A_118 : memref<10000x128xf32, #tpu.memory_space<hbm>>) target(%arg10 : memref<80x128xf32, #tpu.memory_space<vmem>>) offsets(%dma_start3A_115 : memref<80xi32, #tpu.memory_space<vmem>>) semaphore(%arg14 : memref<!tpu.dma_semaphore, #tpu.memory_space<semaphore_mem>>)
      %add3A_119 = arith.constant 1 : i32
      %add3A_120 = arith.addi %mul3A_96, %add3A_119 : i32
      %dma_wait3A_121 = arith.constant 0 : i32
      %dma_wait3A_122 = tpu.memref_slice %arg9[%add3A_120, %dma_wait3A_121] : memref<125x80xi32, #tpu.memory_space<vmem>> -> memref<1x80xi32, #tpu.memory_space<vmem>>
      %dma_wait3A_123 = tpu.memref_squeeze %dma_wait3A_122 : memref<1x80xi32, #tpu.memory_space<vmem>> -> memref<80xi32, #tpu.memory_space<vmem>>
      %dma_wait3A_124 = arith.constant 0 : i32
      %dma_wait3A_125 = arith.constant 0 : i32
      %dma_wait3A_126 = tpu.memref_slice %arg3[%dma_wait3A_124, %dma_wait3A_125] : memref<10000x128xf32, #tpu.memory_space<hbm>> -> memref<10000x128xf32, #tpu.memory_space<hbm>>
      tpu.wait_indirect_dma semaphore(%arg15 : memref<!tpu.dma_semaphore, #tpu.memory_space<semaphore_mem>>) src(%dma_wait3A_126 : memref<10000x128xf32, #tpu.memory_space<hbm>>) dst(%arg11 : memref<80x128xf32, #tpu.memory_space<vmem>>)
      %add3A_127 = arith.constant 1 : i32
      %add3A_128 = arith.addi %mul3A_96, %add3A_127 : i32
      "tpu.region"() ({
        %run_scoped3A_129 = tpu.sem_alloc : memref<!tpu.dma_semaphore, #tpu.memory_space<semaphore_mem>>
        %dma_start3A_130 = arith.constant 0 : i32
        %dma_start3A_131 = tpu.memref_slice %arg8[%add3A_128, %dma_start3A_130] : memref<125x80xi32, #tpu.memory_space<vmem>> -> memref<1x80xi32, #tpu.memory_space<vmem>>
        %dma_start3A_132 = tpu.memref_squeeze %dma_start3A_131 : memref<1x80xi32, #tpu.memory_space<vmem>> -> memref<80xi32, #tpu.memory_space<vmem>>
        %dma_start3A_133 = arith.constant 0 : i32
        %dma_start3A_134 = arith.constant 0 : i32
        %dma_start3A_135 = tpu.memref_slice %arg13[%dma_start3A_133, %dma_start3A_134] : memref<10240x128xf32, #tpu.memory_space<vmem_shared>> -> memref<10240x128xf32, #tpu.memory_space<vmem_shared>>
        tpu.enqueue_indirect_dma source(%arg11 : memref<80x128xf32, #tpu.memory_space<vmem>>) target(%dma_start3A_135 : memref<10240x128xf32, #tpu.memory_space<vmem_shared>>) offsets(%dma_start3A_132 : memref<80xi32, #tpu.memory_space<vmem>>) semaphore(%run_scoped3A_129 : memref<!tpu.dma_semaphore, #tpu.memory_space<semaphore_mem>>) {add = true}
        %dma_wait3A_136 = arith.constant 0 : i32
        %dma_wait3A_137 = tpu.memref_slice %arg8[%add3A_128, %dma_wait3A_136] : memref<125x80xi32, #tpu.memory_space<vmem>> -> memref<1x80xi32, #tpu.memory_space<vmem>>
        %dma_wait3A_138 = tpu.memref_squeeze %dma_wait3A_137 : memref<1x80xi32, #tpu.memory_space<vmem>> -> memref<80xi32, #tpu.memory_space<vmem>>
        %dma_wait3A_139 = arith.constant 0 : i32
        %dma_wait3A_140 = arith.constant 0 : i32
        %dma_wait3A_141 = tpu.memref_slice %arg13[%dma_wait3A_139, %dma_wait3A_140] : memref<10240x128xf32, #tpu.memory_space<vmem_shared>> -> memref<10240x128xf32, #tpu.memory_space<vmem_shared>>
        tpu.wait_indirect_dma semaphore(%run_scoped3A_129 : memref<!tpu.dma_semaphore, #tpu.memory_space<semaphore_mem>>) src(%arg11 : memref<80x128xf32, #tpu.memory_space<vmem>>) dst(%dma_wait3A_141 : memref<10240x128xf32, #tpu.memory_space<vmem_shared>>)
        tpu.yield
      }) : () -> ()
    }
    %scan3A_77 = arith.constant 62 : i32
    %dma_wait3A_78 = arith.constant 124 : i32
    %dma_wait3A_79 = arith.constant 0 : i32
    %dma_wait3A_80 = tpu.memref_slice %arg9[%dma_wait3A_78, %dma_wait3A_79] : memref<125x80xi32, #tpu.memory_space<vmem>> -> memref<1x80xi32, #tpu.memory_space<vmem>>
    %dma_wait3A_81 = tpu.memref_squeeze %dma_wait3A_80 : memref<1x80xi32, #tpu.memory_space<vmem>> -> memref<80xi32, #tpu.memory_space<vmem>>
    %dma_wait3A_82 = arith.constant 0 : i32
    %dma_wait3A_83 = arith.constant 0 : i32
    %dma_wait3A_84 = tpu.memref_slice %arg3[%dma_wait3A_82, %dma_wait3A_83] : memref<10000x128xf32, #tpu.memory_space<hbm>> -> memref<10000x128xf32, #tpu.memory_space<hbm>>
    tpu.wait_indirect_dma semaphore(%arg14 : memref<!tpu.dma_semaphore, #tpu.memory_space<semaphore_mem>>) src(%dma_wait3A_84 : memref<10000x128xf32, #tpu.memory_space<hbm>>) dst(%arg10 : memref<80x128xf32, #tpu.memory_space<vmem>>)
    %run_scoped3A_85 = arith.constant 124 : i32
    "tpu.region"() ({
      %run_scoped3A_94 = tpu.sem_alloc : memref<!tpu.dma_semaphore, #tpu.memory_space<semaphore_mem>>
      %dma_start3A_95 = arith.constant 0 : i32
      %dma_start3A_96 = tpu.memref_slice %arg8[%run_scoped3A_85, %dma_start3A_95] : memref<125x80xi32, #tpu.memory_space<vmem>> -> memref<1x80xi32, #tpu.memory_space<vmem>>
      %dma_start3A_97 = tpu.memref_squeeze %dma_start3A_96 : memref<1x80xi32, #tpu.memory_space<vmem>> -> memref<80xi32, #tpu.memory_space<vmem>>
      %dma_start3A_98 = arith.constant 0 : i32
      %dma_start3A_99 = arith.constant 0 : i32
      %dma_start3A_100 = tpu.memref_slice %arg13[%dma_start3A_98, %dma_start3A_99] : memref<10240x128xf32, #tpu.memory_space<vmem_shared>> -> memref<10240x128xf32, #tpu.memory_space<vmem_shared>>
      tpu.enqueue_indirect_dma source(%arg10 : memref<80x128xf32, #tpu.memory_space<vmem>>) target(%dma_start3A_100 : memref<10240x128xf32, #tpu.memory_space<vmem_shared>>) offsets(%dma_start3A_97 : memref<80xi32, #tpu.memory_space<vmem>>) semaphore(%run_scoped3A_94 : memref<!tpu.dma_semaphore, #tpu.memory_space<semaphore_mem>>) {add = true}
      %dma_wait3A_101 = arith.constant 0 : i32
      %dma_wait3A_102 = tpu.memref_slice %arg8[%run_scoped3A_85, %dma_wait3A_101] : memref<125x80xi32, #tpu.memory_space<vmem>> -> memref<1x80xi32, #tpu.memory_space<vmem>>
      %dma_wait3A_103 = tpu.memref_squeeze %dma_wait3A_102 : memref<1x80xi32, #tpu.memory_space<vmem>> -> memref<80xi32, #tpu.memory_space<vmem>>
      %dma_wait3A_104 = arith.constant 0 : i32
      %dma_wait3A_105 = arith.constant 0 : i32
      %dma_wait3A_106 = tpu.memref_slice %arg13[%dma_wait3A_104, %dma_wait3A_105] : memref<10240x128xf32, #tpu.memory_space<vmem_shared>> -> memref<10240x128xf32, #tpu.memory_space<vmem_shared>>
      tpu.wait_indirect_dma semaphore(%run_scoped3A_94 : memref<!tpu.dma_semaphore, #tpu.memory_space<semaphore_mem>>) src(%arg10 : memref<80x128xf32, #tpu.memory_space<vmem>>) dst(%dma_wait3A_106 : memref<10240x128xf32, #tpu.memory_space<vmem_shared>>)
      tpu.yield
    }) : () -> ()
    %barrier3A_86 = arith.constant 0 : index
    tpu.barrier barrier_id(%barrier3A_86)
    %eq3A = arith.constant 0 : i32
    %eq3A_87 = arith.cmpi eq, %arg0, %eq3A : i32
    %convert_element_type3A = arith.extui %eq3A_87 : i1 to i32
    %cond3A = arith.constant 0 : i32
    %cond3A_88 = arith.cmpi ne, %convert_element_type3A, %cond3A : i32
    scf.if %cond3A_88 {
      %mul3A_94 = arith.constant 640 : i32
      %mul3A_95 = arith.muli %arg1, %mul3A_94 : i32
      %add3A_96 = arith.constant 0 : i32
      %add3A_97 = arith.addi %mul3A_95, %add3A_96 : i32
      "tpu.region"() ({
        %run_scoped3A_134 = tpu.sem_alloc : memref<!tpu.dma_semaphore, #tpu.memory_space<semaphore_mem>>
        %dma_start3A_135 = arith.constant 0 : i32
        %dma_start3A_136 = tpu.memref_slice %arg13[%add3A_97, %dma_start3A_135] : memref<10240x128xf32, #tpu.memory_space<vmem_shared>> -> memref<64x128xf32, #tpu.memory_space<vmem_shared>>
        %dma_start3A_137 = arith.constant 0 : i32
        %dma_start3A_138 = tpu.memref_slice %arg13[%add3A_97, %dma_start3A_137] : memref<10240x128xf32, #tpu.memory_space<vmem_shared>> -> memref<64x128xf32, #tpu.memory_space<vmem_shared>>
        tpu.enqueue_dma source(%dma_start3A_138 : memref<64x128xf32, #tpu.memory_space<vmem_shared>>) target(%arg12 : memref<64x128xf32, #tpu.memory_space<vmem>>) target_semaphore(%run_scoped3A_134 : memref<!tpu.dma_semaphore, #tpu.memory_space<semaphore_mem>>)
        %dma_wait3A_139 = arith.constant 0 : i32
        %dma_wait3A_140 = tpu.memref_slice %arg13[%add3A_97, %dma_wait3A_139] : memref<10240x128xf32, #tpu.memory_space<vmem_shared>> -> memref<64x128xf32, #tpu.memory_space<vmem_shared>>
        %dma_wait3A_141 = arith.constant 0 : i32
        %dma_wait3A_142 = tpu.memref_slice %arg13[%add3A_97, %dma_wait3A_141] : memref<10240x128xf32, #tpu.memory_space<vmem_shared>> -> memref<64x128xf32, #tpu.memory_space<vmem_shared>>
        tpu.wait_dma2 semaphore(%run_scoped3A_134 : memref<!tpu.dma_semaphore, #tpu.memory_space<semaphore_mem>>) src(%dma_wait3A_142 : memref<64x128xf32, #tpu.memory_space<vmem_shared>>) dst(%arg12 : memref<64x128xf32, #tpu.memory_space<vmem>>)
        tpu.yield
      }) : () -> ()
      "tpu.region"() ({
        %run_scoped3A_134 = tpu.sem_alloc : memref<!tpu.dma_semaphore, #tpu.memory_space<semaphore_mem>>
        %dma_start3A_135 = arith.constant 0 : i32
        %dma_start3A_136 = tpu.memref_slice %arg6[%add3A_97, %dma_start3A_135] : memref<10240x128xf32, #tpu.memory_space<hbm>> -> memref<64x128xf32, #tpu.memory_space<hbm>>
        %dma_start3A_137 = arith.constant 0 : i32
        %dma_start3A_138 = tpu.memref_slice %arg6[%add3A_97, %dma_start3A_137] : memref<10240x128xf32, #tpu.memory_space<hbm>> -> memref<64x128xf32, #tpu.memory_space<hbm>>
        tpu.enqueue_dma source(%arg12 : memref<64x128xf32, #tpu.memory_space<vmem>>) target(%dma_start3A_138 : memref<64x128xf32, #tpu.memory_space<hbm>>) target_semaphore(%run_scoped3A_134 : memref<!tpu.dma_semaphore, #tpu.memory_space<semaphore_mem>>)
        %dma_wait3A_139 = arith.constant 0 : i32
        %dma_wait3A_140 = tpu.memref_slice %arg6[%add3A_97, %dma_wait3A_139] : memref<10240x128xf32, #tpu.memory_space<hbm>> -> memref<64x128xf32, #tpu.memory_space<hbm>>
        %dma_wait3A_141 = arith.constant 0 : i32
        %dma_wait3A_142 = tpu.memref_slice %arg6[%add3A_97, %dma_wait3A_141] : memref<10240x128xf32, #tpu.memory_space<hbm>> -> memref<64x128xf32, #tpu.memory_space<hbm>>
        tpu.wait_dma2 semaphore(%run_scoped3A_134 : memref<!tpu.dma_semaphore, #tpu.memory_space<semaphore_mem>>) src(%arg12 : memref<64x128xf32, #tpu.memory_space<vmem>>) dst(%dma_wait3A_142 : memref<64x128xf32, #tpu.memory_space<hbm>>)
        tpu.yield
      }) : () -> ()
      %mul3A_98 = arith.constant 640 : i32
      %mul3A_99 = arith.muli %arg1, %mul3A_98 : i32
      %add3A_100 = arith.constant 64 : i32
      %add3A_101 = arith.addi %mul3A_99, %add3A_100 : i32
      "tpu.region"() ({
        %run_scoped3A_134 = tpu.sem_alloc : memref<!tpu.dma_semaphore, #tpu.memory_space<semaphore_mem>>
        %dma_start3A_135 = arith.constant 0 : i32
        %dma_start3A_136 = tpu.memref_slice %arg13[%add3A_101, %dma_start3A_135] : memref<10240x128xf32, #tpu.memory_space<vmem_shared>> -> memref<64x128xf32, #tpu.memory_space<vmem_shared>>
        %dma_start3A_137 = arith.constant 0 : i32
        %dma_start3A_138 = tpu.memref_slice %arg13[%add3A_101, %dma_start3A_137] : memref<10240x128xf32, #tpu.memory_space<vmem_shared>> -> memref<64x128xf32, #tpu.memory_space<vmem_shared>>
        tpu.enqueue_dma source(%dma_start3A_138 : memref<64x128xf32, #tpu.memory_space<vmem_shared>>) target(%arg12 : memref<64x128xf32, #tpu.memory_space<vmem>>) target_semaphore(%run_scoped3A_134 : memref<!tpu.dma_semaphore, #tpu.memory_space<semaphore_mem>>)
        %dma_wait3A_139 = arith.constant 0 : i32
        %dma_wait3A_140 = tpu.memref_slice %arg13[%add3A_101, %dma_wait3A_139] : memref<10240x128xf32, #tpu.memory_space<vmem_shared>> -> memref<64x128xf32, #tpu.memory_space<vmem_shared>>
        %dma_wait3A_141 = arith.constant 0 : i32
        %dma_wait3A_142 = tpu.memref_slice %arg13[%add3A_101, %dma_wait3A_141] : memref<10240x128xf32, #tpu.memory_space<vmem_shared>> -> memref<64x128xf32, #tpu.memory_space<vmem_shared>>
        tpu.wait_dma2 semaphore(%run_scoped3A_134 : memref<!tpu.dma_semaphore, #tpu.memory_space<semaphore_mem>>) src(%dma_wait3A_142 : memref<64x128xf32, #tpu.memory_space<vmem_shared>>) dst(%arg12 : memref<64x128xf32, #tpu.memory_space<vmem>>)
        tpu.yield
      }) : () -> ()
      "tpu.region"() ({
        %run_scoped3A_134 = tpu.sem_alloc : memref<!tpu.dma_semaphore, #tpu.memory_space<semaphore_mem>>
        %dma_start3A_135 = arith.constant 0 : i32
        %dma_start3A_136 = tpu.memref_slice %arg6[%add3A_101, %dma_start3A_135] : memref<10240x128xf32, #tpu.memory_space<hbm>> -> memref<64x128xf32, #tpu.memory_space<hbm>>
        %dma_start3A_137 = arith.constant 0 : i32
        %dma_start3A_138 = tpu.memref_slice %arg6[%add3A_101, %dma_start3A_137] : memref<10240x128xf32, #tpu.memory_space<hbm>> -> memref<64x128xf32, #tpu.memory_space<hbm>>
        tpu.enqueue_dma source(%arg12 : memref<64x128xf32, #tpu.memory_space<vmem>>) target(%dma_start3A_138 : memref<64x128xf32, #tpu.memory_space<hbm>>) target_semaphore(%run_scoped3A_134 : memref<!tpu.dma_semaphore, #tpu.memory_space<semaphore_mem>>)
        %dma_wait3A_139 = arith.constant 0 : i32
        %dma_wait3A_140 = tpu.memref_slice %arg6[%add3A_101, %dma_wait3A_139] : memref<10240x128xf32, #tpu.memory_space<hbm>> -> memref<64x128xf32, #tpu.memory_space<hbm>>
        %dma_wait3A_141 = arith.constant 0 : i32
        %dma_wait3A_142 = tpu.memref_slice %arg6[%add3A_101, %dma_wait3A_141] : memref<10240x128xf32, #tpu.memory_space<hbm>> -> memref<64x128xf32, #tpu.memory_space<hbm>>
        tpu.wait_dma2 semaphore(%run_scoped3A_134 : memref<!tpu.dma_semaphore, #tpu.memory_space<semaphore_mem>>) src(%arg12 : memref<64x128xf32, #tpu.memory_space<vmem>>) dst(%dma_wait3A_142 : memref<64x128xf32, #tpu.memory_space<hbm>>)
        tpu.yield
      }) : () -> ()
      %mul3A_102 = arith.constant 640 : i32
      %mul3A_103 = arith.muli %arg1, %mul3A_102 : i32
      %add3A_104 = arith.constant 128 : i32
      %add3A_105 = arith.addi %mul3A_103, %add3A_104 : i32
      "tpu.region"() ({
        %run_scoped3A_134 = tpu.sem_alloc : memref<!tpu.dma_semaphore, #tpu.memory_space<semaphore_mem>>
        %dma_start3A_135 = arith.constant 0 : i32
        %dma_start3A_136 = tpu.memref_slice %arg13[%add3A_105, %dma_start3A_135] : memref<10240x128xf32, #tpu.memory_space<vmem_shared>> -> memref<64x128xf32, #tpu.memory_space<vmem_shared>>
        %dma_start3A_137 = arith.constant 0 : i32
        %dma_start3A_138 = tpu.memref_slice %arg13[%add3A_105, %dma_start3A_137] : memref<10240x128xf32, #tpu.memory_space<vmem_shared>> -> memref<64x128xf32, #tpu.memory_space<vmem_shared>>
        tpu.enqueue_dma source(%dma_start3A_138 : memref<64x128xf32, #tpu.memory_space<vmem_shared>>) target(%arg12 : memref<64x128xf32, #tpu.memory_space<vmem>>) target_semaphore(%run_scoped3A_134 : memref<!tpu.dma_semaphore, #tpu.memory_space<semaphore_mem>>)
        %dma_wait3A_139 = arith.constant 0 : i32
        %dma_wait3A_140 = tpu.memref_slice %arg13[%add3A_105, %dma_wait3A_139] : memref<10240x128xf32, #tpu.memory_space<vmem_shared>> -> memref<64x128xf32, #tpu.memory_space<vmem_shared>>
        %dma_wait3A_141 = arith.constant 0 : i32
        %dma_wait3A_142 = tpu.memref_slice %arg13[%add3A_105, %dma_wait3A_141] : memref<10240x128xf32, #tpu.memory_space<vmem_shared>> -> memref<64x128xf32, #tpu.memory_space<vmem_shared>>
        tpu.wait_dma2 semaphore(%run_scoped3A_134 : memref<!tpu.dma_semaphore, #tpu.memory_space<semaphore_mem>>) src(%dma_wait3A_142 : memref<64x128xf32, #tpu.memory_space<vmem_shared>>) dst(%arg12 : memref<64x128xf32, #tpu.memory_space<vmem>>)
        tpu.yield
      }) : () -> ()
      "tpu.region"() ({
        %run_scoped3A_134 = tpu.sem_alloc : memref<!tpu.dma_semaphore, #tpu.memory_space<semaphore_mem>>
        %dma_start3A_135 = arith.constant 0 : i32
        %dma_start3A_136 = tpu.memref_slice %arg6[%add3A_105, %dma_start3A_135] : memref<10240x128xf32, #tpu.memory_space<hbm>> -> memref<64x128xf32, #tpu.memory_space<hbm>>
        %dma_start3A_137 = arith.constant 0 : i32
        %dma_start3A_138 = tpu.memref_slice %arg6[%add3A_105, %dma_start3A_137] : memref<10240x128xf32, #tpu.memory_space<hbm>> -> memref<64x128xf32, #tpu.memory_space<hbm>>
        tpu.enqueue_dma source(%arg12 : memref<64x128xf32, #tpu.memory_space<vmem>>) target(%dma_start3A_138 : memref<64x128xf32, #tpu.memory_space<hbm>>) target_semaphore(%run_scoped3A_134 : memref<!tpu.dma_semaphore, #tpu.memory_space<semaphore_mem>>)
        %dma_wait3A_139 = arith.constant 0 : i32
        %dma_wait3A_140 = tpu.memref_slice %arg6[%add3A_105, %dma_wait3A_139] : memref<10240x128xf32, #tpu.memory_space<hbm>> -> memref<64x128xf32, #tpu.memory_space<hbm>>
        %dma_wait3A_141 = arith.constant 0 : i32
        %dma_wait3A_142 = tpu.memref_slice %arg6[%add3A_105, %dma_wait3A_141] : memref<10240x128xf32, #tpu.memory_space<hbm>> -> memref<64x128xf32, #tpu.memory_space<hbm>>
        tpu.wait_dma2 semaphore(%run_scoped3A_134 : memref<!tpu.dma_semaphore, #tpu.memory_space<semaphore_mem>>) src(%arg12 : memref<64x128xf32, #tpu.memory_space<vmem>>) dst(%dma_wait3A_142 : memref<64x128xf32, #tpu.memory_space<hbm>>)
        tpu.yield
      }) : () -> ()
      %mul3A_106 = arith.constant 640 : i32
      %mul3A_107 = arith.muli %arg1, %mul3A_106 : i32
      %add3A_108 = arith.constant 192 : i32
      %add3A_109 = arith.addi %mul3A_107, %add3A_108 : i32
      "tpu.region"() ({
        %run_scoped3A_134 = tpu.sem_alloc : memref<!tpu.dma_semaphore, #tpu.memory_space<semaphore_mem>>
        %dma_start3A_135 = arith.constant 0 : i32
        %dma_start3A_136 = tpu.memref_slice %arg13[%add3A_109, %dma_start3A_135] : memref<10240x128xf32, #tpu.memory_space<vmem_shared>> -> memref<64x128xf32, #tpu.memory_space<vmem_shared>>
        %dma_start3A_137 = arith.constant 0 : i32
        %dma_start3A_138 = tpu.memref_slice %arg13[%add3A_109, %dma_start3A_137] : memref<10240x128xf32, #tpu.memory_space<vmem_shared>> -> memref<64x128xf32, #tpu.memory_space<vmem_shared>>
        tpu.enqueue_dma source(%dma_start3A_138 : memref<64x128xf32, #tpu.memory_space<vmem_shared>>) target(%arg12 : memref<64x128xf32, #tpu.memory_space<vmem>>) target_semaphore(%run_scoped3A_134 : memref<!tpu.dma_semaphore, #tpu.memory_space<semaphore_mem>>)
        %dma_wait3A_139 = arith.constant 0 : i32
        %dma_wait3A_140 = tpu.memref_slice %arg13[%add3A_109, %dma_wait3A_139] : memref<10240x128xf32, #tpu.memory_space<vmem_shared>> -> memref<64x128xf32, #tpu.memory_space<vmem_shared>>
        %dma_wait3A_141 = arith.constant 0 : i32
        %dma_wait3A_142 = tpu.memref_slice %arg13[%add3A_109, %dma_wait3A_141] : memref<10240x128xf32, #tpu.memory_space<vmem_shared>> -> memref<64x128xf32, #tpu.memory_space<vmem_shared>>
        tpu.wait_dma2 semaphore(%run_scoped3A_134 : memref<!tpu.dma_semaphore, #tpu.memory_space<semaphore_mem>>) src(%dma_wait3A_142 : memref<64x128xf32, #tpu.memory_space<vmem_shared>>) dst(%arg12 : memref<64x128xf32, #tpu.memory_space<vmem>>)
        tpu.yield
      }) : () -> ()
      "tpu.region"() ({
        %run_scoped3A_134 = tpu.sem_alloc : memref<!tpu.dma_semaphore, #tpu.memory_space<semaphore_mem>>
        %dma_start3A_135 = arith.constant 0 : i32
        %dma_start3A_136 = tpu.memref_slice %arg6[%add3A_109, %dma_start3A_135] : memref<10240x128xf32, #tpu.memory_space<hbm>> -> memref<64x128xf32, #tpu.memory_space<hbm>>
        %dma_start3A_137 = arith.constant 0 : i32
        %dma_start3A_138 = tpu.memref_slice %arg6[%add3A_109, %dma_start3A_137] : memref<10240x128xf32, #tpu.memory_space<hbm>> -> memref<64x128xf32, #tpu.memory_space<hbm>>
        tpu.enqueue_dma source(%arg12 : memref<64x128xf32, #tpu.memory_space<vmem>>) target(%dma_start3A_138 : memref<64x128xf32, #tpu.memory_space<hbm>>) target_semaphore(%run_scoped3A_134 : memref<!tpu.dma_semaphore, #tpu.memory_space<semaphore_mem>>)
        %dma_wait3A_139 = arith.constant 0 : i32
        %dma_wait3A_140 = tpu.memref_slice %arg6[%add3A_109, %dma_wait3A_139] : memref<10240x128xf32, #tpu.memory_space<hbm>> -> memref<64x128xf32, #tpu.memory_space<hbm>>
        %dma_wait3A_141 = arith.constant 0 : i32
        %dma_wait3A_142 = tpu.memref_slice %arg6[%add3A_109, %dma_wait3A_141] : memref<10240x128xf32, #tpu.memory_space<hbm>> -> memref<64x128xf32, #tpu.memory_space<hbm>>
        tpu.wait_dma2 semaphore(%run_scoped3A_134 : memref<!tpu.dma_semaphore, #tpu.memory_space<semaphore_mem>>) src(%arg12 : memref<64x128xf32, #tpu.memory_space<vmem>>) dst(%dma_wait3A_142 : memref<64x128xf32, #tpu.memory_space<hbm>>)
        tpu.yield
      }) : () -> ()
      %mul3A_110 = arith.constant 640 : i32
      %mul3A_111 = arith.muli %arg1, %mul3A_110 : i32
      %add3A_112 = arith.constant 256 : i32
      %add3A_113 = arith.addi %mul3A_111, %add3A_112 : i32
      "tpu.region"() ({
        %run_scoped3A_134 = tpu.sem_alloc : memref<!tpu.dma_semaphore, #tpu.memory_space<semaphore_mem>>
        %dma_start3A_135 = arith.constant 0 : i32
        %dma_start3A_136 = tpu.memref_slice %arg13[%add3A_113, %dma_start3A_135] : memref<10240x128xf32, #tpu.memory_space<vmem_shared>> -> memref<64x128xf32, #tpu.memory_space<vmem_shared>>
        %dma_start3A_137 = arith.constant 0 : i32
        %dma_start3A_138 = tpu.memref_slice %arg13[%add3A_113, %dma_start3A_137] : memref<10240x128xf32, #tpu.memory_space<vmem_shared>> -> memref<64x128xf32, #tpu.memory_space<vmem_shared>>
        tpu.enqueue_dma source(%dma_start3A_138 : memref<64x128xf32, #tpu.memory_space<vmem_shared>>) target(%arg12 : memref<64x128xf32, #tpu.memory_space<vmem>>) target_semaphore(%run_scoped3A_134 : memref<!tpu.dma_semaphore, #tpu.memory_space<semaphore_mem>>)
        %dma_wait3A_139 = arith.constant 0 : i32
        %dma_wait3A_140 = tpu.memref_slice %arg13[%add3A_113, %dma_wait3A_139] : memref<10240x128xf32, #tpu.memory_space<vmem_shared>> -> memref<64x128xf32, #tpu.memory_space<vmem_shared>>
        %dma_wait3A_141 = arith.constant 0 : i32
        %dma_wait3A_142 = tpu.memref_slice %arg13[%add3A_113, %dma_wait3A_141] : memref<10240x128xf32, #tpu.memory_space<vmem_shared>> -> memref<64x128xf32, #tpu.memory_space<vmem_shared>>
        tpu.wait_dma2 semaphore(%run_scoped3A_134 : memref<!tpu.dma_semaphore, #tpu.memory_space<semaphore_mem>>) src(%dma_wait3A_142 : memref<64x128xf32, #tpu.memory_space<vmem_shared>>) dst(%arg12 : memref<64x128xf32, #tpu.memory_space<vmem>>)
        tpu.yield
      }) : () -> ()
      "tpu.region"() ({
        %run_scoped3A_134 = tpu.sem_alloc : memref<!tpu.dma_semaphore, #tpu.memory_space<semaphore_mem>>
        %dma_start3A_135 = arith.constant 0 : i32
        %dma_start3A_136 = tpu.memref_slice %arg6[%add3A_113, %dma_start3A_135] : memref<10240x128xf32, #tpu.memory_space<hbm>> -> memref<64x128xf32, #tpu.memory_space<hbm>>
        %dma_start3A_137 = arith.constant 0 : i32
        %dma_start3A_138 = tpu.memref_slice %arg6[%add3A_113, %dma_start3A_137] : memref<10240x128xf32, #tpu.memory_space<hbm>> -> memref<64x128xf32, #tpu.memory_space<hbm>>
        tpu.enqueue_dma source(%arg12 : memref<64x128xf32, #tpu.memory_space<vmem>>) target(%dma_start3A_138 : memref<64x128xf32, #tpu.memory_space<hbm>>) target_semaphore(%run_scoped3A_134 : memref<!tpu.dma_semaphore, #tpu.memory_space<semaphore_mem>>)
        %dma_wait3A_139 = arith.constant 0 : i32
        %dma_wait3A_140 = tpu.memref_slice %arg6[%add3A_113, %dma_wait3A_139] : memref<10240x128xf32, #tpu.memory_space<hbm>> -> memref<64x128xf32, #tpu.memory_space<hbm>>
        %dma_wait3A_141 = arith.constant 0 : i32
        %dma_wait3A_142 = tpu.memref_slice %arg6[%add3A_113, %dma_wait3A_141] : memref<10240x128xf32, #tpu.memory_space<hbm>> -> memref<64x128xf32, #tpu.memory_space<hbm>>
        tpu.wait_dma2 semaphore(%run_scoped3A_134 : memref<!tpu.dma_semaphore, #tpu.memory_space<semaphore_mem>>) src(%arg12 : memref<64x128xf32, #tpu.memory_space<vmem>>) dst(%dma_wait3A_142 : memref<64x128xf32, #tpu.memory_space<hbm>>)
        tpu.yield
      }) : () -> ()
      %mul3A_114 = arith.constant 640 : i32
      %mul3A_115 = arith.muli %arg1, %mul3A_114 : i32
      %add3A_116 = arith.constant 320 : i32
      %add3A_117 = arith.addi %mul3A_115, %add3A_116 : i32
      "tpu.region"() ({
        %run_scoped3A_134 = tpu.sem_alloc : memref<!tpu.dma_semaphore, #tpu.memory_space<semaphore_mem>>
        %dma_start3A_135 = arith.constant 0 : i32
        %dma_start3A_136 = tpu.memref_slice %arg13[%add3A_117, %dma_start3A_135] : memref<10240x128xf32, #tpu.memory_space<vmem_shared>> -> memref<64x128xf32, #tpu.memory_space<vmem_shared>>
        %dma_start3A_137 = arith.constant 0 : i32
        %dma_start3A_138 = tpu.memref_slice %arg13[%add3A_117, %dma_start3A_137] : memref<10240x128xf32, #tpu.memory_space<vmem_shared>> -> memref<64x128xf32, #tpu.memory_space<vmem_shared>>
        tpu.enqueue_dma source(%dma_start3A_138 : memref<64x128xf32, #tpu.memory_space<vmem_shared>>) target(%arg12 : memref<64x128xf32, #tpu.memory_space<vmem>>) target_semaphore(%run_scoped3A_134 : memref<!tpu.dma_semaphore, #tpu.memory_space<semaphore_mem>>)
        %dma_wait3A_139 = arith.constant 0 : i32
        %dma_wait3A_140 = tpu.memref_slice %arg13[%add3A_117, %dma_wait3A_139] : memref<10240x128xf32, #tpu.memory_space<vmem_shared>> -> memref<64x128xf32, #tpu.memory_space<vmem_shared>>
        %dma_wait3A_141 = arith.constant 0 : i32
        %dma_wait3A_142 = tpu.memref_slice %arg13[%add3A_117, %dma_wait3A_141] : memref<10240x128xf32, #tpu.memory_space<vmem_shared>> -> memref<64x128xf32, #tpu.memory_space<vmem_shared>>
        tpu.wait_dma2 semaphore(%run_scoped3A_134 : memref<!tpu.dma_semaphore, #tpu.memory_space<semaphore_mem>>) src(%dma_wait3A_142 : memref<64x128xf32, #tpu.memory_space<vmem_shared>>) dst(%arg12 : memref<64x128xf32, #tpu.memory_space<vmem>>)
        tpu.yield
      }) : () -> ()
      "tpu.region"() ({
        %run_scoped3A_134 = tpu.sem_alloc : memref<!tpu.dma_semaphore, #tpu.memory_space<semaphore_mem>>
        %dma_start3A_135 = arith.constant 0 : i32
        %dma_start3A_136 = tpu.memref_slice %arg6[%add3A_117, %dma_start3A_135] : memref<10240x128xf32, #tpu.memory_space<hbm>> -> memref<64x128xf32, #tpu.memory_space<hbm>>
        %dma_start3A_137 = arith.constant 0 : i32
        %dma_start3A_138 = tpu.memref_slice %arg6[%add3A_117, %dma_start3A_137] : memref<10240x128xf32, #tpu.memory_space<hbm>> -> memref<64x128xf32, #tpu.memory_space<hbm>>
        tpu.enqueue_dma source(%arg12 : memref<64x128xf32, #tpu.memory_space<vmem>>) target(%dma_start3A_138 : memref<64x128xf32, #tpu.memory_space<hbm>>) target_semaphore(%run_scoped3A_134 : memref<!tpu.dma_semaphore, #tpu.memory_space<semaphore_mem>>)
        %dma_wait3A_139 = arith.constant 0 : i32
        %dma_wait3A_140 = tpu.memref_slice %arg6[%add3A_117, %dma_wait3A_139] : memref<10240x128xf32, #tpu.memory_space<hbm>> -> memref<64x128xf32, #tpu.memory_space<hbm>>
        %dma_wait3A_141 = arith.constant 0 : i32
        %dma_wait3A_142 = tpu.memref_slice %arg6[%add3A_117, %dma_wait3A_141] : memref<10240x128xf32, #tpu.memory_space<hbm>> -> memref<64x128xf32, #tpu.memory_space<hbm>>
        tpu.wait_dma2 semaphore(%run_scoped3A_134 : memref<!tpu.dma_semaphore, #tpu.memory_space<semaphore_mem>>) src(%arg12 : memref<64x128xf32, #tpu.memory_space<vmem>>) dst(%dma_wait3A_142 : memref<64x128xf32, #tpu.memory_space<hbm>>)
        tpu.yield
      }) : () -> ()
      %mul3A_118 = arith.constant 640 : i32
      %mul3A_119 = arith.muli %arg1, %mul3A_118 : i32
      %add3A_120 = arith.constant 384 : i32
      %add3A_121 = arith.addi %mul3A_119, %add3A_120 : i32
      "tpu.region"() ({
        %run_scoped3A_134 = tpu.sem_alloc : memref<!tpu.dma_semaphore, #tpu.memory_space<semaphore_mem>>
        %dma_start3A_135 = arith.constant 0 : i32
        %dma_start3A_136 = tpu.memref_slice %arg13[%add3A_121, %dma_start3A_135] : memref<10240x128xf32, #tpu.memory_space<vmem_shared>> -> memref<64x128xf32, #tpu.memory_space<vmem_shared>>
        %dma_start3A_137 = arith.constant 0 : i32
        %dma_start3A_138 = tpu.memref_slice %arg13[%add3A_121, %dma_start3A_137] : memref<10240x128xf32, #tpu.memory_space<vmem_shared>> -> memref<64x128xf32, #tpu.memory_space<vmem_shared>>
        tpu.enqueue_dma source(%dma_start3A_138 : memref<64x128xf32, #tpu.memory_space<vmem_shared>>) target(%arg12 : memref<64x128xf32, #tpu.memory_space<vmem>>) target_semaphore(%run_scoped3A_134 : memref<!tpu.dma_semaphore, #tpu.memory_space<semaphore_mem>>)
        %dma_wait3A_139 = arith.constant 0 : i32
        %dma_wait3A_140 = tpu.memref_slice %arg13[%add3A_121, %dma_wait3A_139] : memref<10240x128xf32, #tpu.memory_space<vmem_shared>> -> memref<64x128xf32, #tpu.memory_space<vmem_shared>>
        %dma_wait3A_141 = arith.constant 0 : i32
        %dma_wait3A_142 = tpu.memref_slice %arg13[%add3A_121, %dma_wait3A_141] : memref<10240x128xf32, #tpu.memory_space<vmem_shared>> -> memref<64x128xf32, #tpu.memory_space<vmem_shared>>
        tpu.wait_dma2 semaphore(%run_scoped3A_134 : memref<!tpu.dma_semaphore, #tpu.memory_space<semaphore_mem>>) src(%dma_wait3A_142 : memref<64x128xf32, #tpu.memory_space<vmem_shared>>) dst(%arg12 : memref<64x128xf32, #tpu.memory_space<vmem>>)
        tpu.yield
      }) : () -> ()
      "tpu.region"() ({
        %run_scoped3A_134 = tpu.sem_alloc : memref<!tpu.dma_semaphore, #tpu.memory_space<semaphore_mem>>
        %dma_start3A_135 = arith.constant 0 : i32
        %dma_start3A_136 = tpu.memref_slice %arg6[%add3A_121, %dma_start3A_135] : memref<10240x128xf32, #tpu.memory_space<hbm>> -> memref<64x128xf32, #tpu.memory_space<hbm>>
        %dma_start3A_137 = arith.constant 0 : i32
        %dma_start3A_138 = tpu.memref_slice %arg6[%add3A_121, %dma_start3A_137] : memref<10240x128xf32, #tpu.memory_space<hbm>> -> memref<64x128xf32, #tpu.memory_space<hbm>>
        tpu.enqueue_dma source(%arg12 : memref<64x128xf32, #tpu.memory_space<vmem>>) target(%dma_start3A_138 : memref<64x128xf32, #tpu.memory_space<hbm>>) target_semaphore(%run_scoped3A_134 : memref<!tpu.dma_semaphore, #tpu.memory_space<semaphore_mem>>)
        %dma_wait3A_139 = arith.constant 0 : i32
        %dma_wait3A_140 = tpu.memref_slice %arg6[%add3A_121, %dma_wait3A_139] : memref<10240x128xf32, #tpu.memory_space<hbm>> -> memref<64x128xf32, #tpu.memory_space<hbm>>
        %dma_wait3A_141 = arith.constant 0 : i32
        %dma_wait3A_142 = tpu.memref_slice %arg6[%add3A_121, %dma_wait3A_141] : memref<10240x128xf32, #tpu.memory_space<hbm>> -> memref<64x128xf32, #tpu.memory_space<hbm>>
        tpu.wait_dma2 semaphore(%run_scoped3A_134 : memref<!tpu.dma_semaphore, #tpu.memory_space<semaphore_mem>>) src(%arg12 : memref<64x128xf32, #tpu.memory_space<vmem>>) dst(%dma_wait3A_142 : memref<64x128xf32, #tpu.memory_space<hbm>>)
        tpu.yield
      }) : () -> ()
      %mul3A_122 = arith.constant 640 : i32
      %mul3A_123 = arith.muli %arg1, %mul3A_122 : i32
      %add3A_124 = arith.constant 448 : i32
      %add3A_125 = arith.addi %mul3A_123, %add3A_124 : i32
      "tpu.region"() ({
        %run_scoped3A_134 = tpu.sem_alloc : memref<!tpu.dma_semaphore, #tpu.memory_space<semaphore_mem>>
        %dma_start3A_135 = arith.constant 0 : i32
        %dma_start3A_136 = tpu.memref_slice %arg13[%add3A_125, %dma_start3A_135] : memref<10240x128xf32, #tpu.memory_space<vmem_shared>> -> memref<64x128xf32, #tpu.memory_space<vmem_shared>>
        %dma_start3A_137 = arith.constant 0 : i32
        %dma_start3A_138 = tpu.memref_slice %arg13[%add3A_125, %dma_start3A_137] : memref<10240x128xf32, #tpu.memory_space<vmem_shared>> -> memref<64x128xf32, #tpu.memory_space<vmem_shared>>
        tpu.enqueue_dma source(%dma_start3A_138 : memref<64x128xf32, #tpu.memory_space<vmem_shared>>) target(%arg12 : memref<64x128xf32, #tpu.memory_space<vmem>>) target_semaphore(%run_scoped3A_134 : memref<!tpu.dma_semaphore, #tpu.memory_space<semaphore_mem>>)
        %dma_wait3A_139 = arith.constant 0 : i32
        %dma_wait3A_140 = tpu.memref_slice %arg13[%add3A_125, %dma_wait3A_139] : memref<10240x128xf32, #tpu.memory_space<vmem_shared>> -> memref<64x128xf32, #tpu.memory_space<vmem_shared>>
        %dma_wait3A_141 = arith.constant 0 : i32
        %dma_wait3A_142 = tpu.memref_slice %arg13[%add3A_125, %dma_wait3A_141] : memref<10240x128xf32, #tpu.memory_space<vmem_shared>> -> memref<64x128xf32, #tpu.memory_space<vmem_shared>>
        tpu.wait_dma2 semaphore(%run_scoped3A_134 : memref<!tpu.dma_semaphore, #tpu.memory_space<semaphore_mem>>) src(%dma_wait3A_142 : memref<64x128xf32, #tpu.memory_space<vmem_shared>>) dst(%arg12 : memref<64x128xf32, #tpu.memory_space<vmem>>)
        tpu.yield
      }) : () -> ()
      "tpu.region"() ({
        %run_scoped3A_134 = tpu.sem_alloc : memref<!tpu.dma_semaphore, #tpu.memory_space<semaphore_mem>>
        %dma_start3A_135 = arith.constant 0 : i32
        %dma_start3A_136 = tpu.memref_slice %arg6[%add3A_125, %dma_start3A_135] : memref<10240x128xf32, #tpu.memory_space<hbm>> -> memref<64x128xf32, #tpu.memory_space<hbm>>
        %dma_start3A_137 = arith.constant 0 : i32
        %dma_start3A_138 = tpu.memref_slice %arg6[%add3A_125, %dma_start3A_137] : memref<10240x128xf32, #tpu.memory_space<hbm>> -> memref<64x128xf32, #tpu.memory_space<hbm>>
        tpu.enqueue_dma source(%arg12 : memref<64x128xf32, #tpu.memory_space<vmem>>) target(%dma_start3A_138 : memref<64x128xf32, #tpu.memory_space<hbm>>) target_semaphore(%run_scoped3A_134 : memref<!tpu.dma_semaphore, #tpu.memory_space<semaphore_mem>>)
        %dma_wait3A_139 = arith.constant 0 : i32
        %dma_wait3A_140 = tpu.memref_slice %arg6[%add3A_125, %dma_wait3A_139] : memref<10240x128xf32, #tpu.memory_space<hbm>> -> memref<64x128xf32, #tpu.memory_space<hbm>>
        %dma_wait3A_141 = arith.constant 0 : i32
        %dma_wait3A_142 = tpu.memref_slice %arg6[%add3A_125, %dma_wait3A_141] : memref<10240x128xf32, #tpu.memory_space<hbm>> -> memref<64x128xf32, #tpu.memory_space<hbm>>
        tpu.wait_dma2 semaphore(%run_scoped3A_134 : memref<!tpu.dma_semaphore, #tpu.memory_space<semaphore_mem>>) src(%arg12 : memref<64x128xf32, #tpu.memory_space<vmem>>) dst(%dma_wait3A_142 : memref<64x128xf32, #tpu.memory_space<hbm>>)
        tpu.yield
      }) : () -> ()
      %mul3A_126 = arith.constant 640 : i32
      %mul3A_127 = arith.muli %arg1, %mul3A_126 : i32
      %add3A_128 = arith.constant 512 : i32
      %add3A_129 = arith.addi %mul3A_127, %add3A_128 : i32
      "tpu.region"() ({
        %run_scoped3A_134 = tpu.sem_alloc : memref<!tpu.dma_semaphore, #tpu.memory_space<semaphore_mem>>
        %dma_start3A_135 = arith.constant 0 : i32
        %dma_start3A_136 = tpu.memref_slice %arg13[%add3A_129, %dma_start3A_135] : memref<10240x128xf32, #tpu.memory_space<vmem_shared>> -> memref<64x128xf32, #tpu.memory_space<vmem_shared>>
        %dma_start3A_137 = arith.constant 0 : i32
        %dma_start3A_138 = tpu.memref_slice %arg13[%add3A_129, %dma_start3A_137] : memref<10240x128xf32, #tpu.memory_space<vmem_shared>> -> memref<64x128xf32, #tpu.memory_space<vmem_shared>>
        tpu.enqueue_dma source(%dma_start3A_138 : memref<64x128xf32, #tpu.memory_space<vmem_shared>>) target(%arg12 : memref<64x128xf32, #tpu.memory_space<vmem>>) target_semaphore(%run_scoped3A_134 : memref<!tpu.dma_semaphore, #tpu.memory_space<semaphore_mem>>)
        %dma_wait3A_139 = arith.constant 0 : i32
        %dma_wait3A_140 = tpu.memref_slice %arg13[%add3A_129, %dma_wait3A_139] : memref<10240x128xf32, #tpu.memory_space<vmem_shared>> -> memref<64x128xf32, #tpu.memory_space<vmem_shared>>
        %dma_wait3A_141 = arith.constant 0 : i32
        %dma_wait3A_142 = tpu.memref_slice %arg13[%add3A_129, %dma_wait3A_141] : memref<10240x128xf32, #tpu.memory_space<vmem_shared>> -> memref<64x128xf32, #tpu.memory_space<vmem_shared>>
        tpu.wait_dma2 semaphore(%run_scoped3A_134 : memref<!tpu.dma_semaphore, #tpu.memory_space<semaphore_mem>>) src(%dma_wait3A_142 : memref<64x128xf32, #tpu.memory_space<vmem_shared>>) dst(%arg12 : memref<64x128xf32, #tpu.memory_space<vmem>>)
        tpu.yield
      }) : () -> ()
      "tpu.region"() ({
        %run_scoped3A_134 = tpu.sem_alloc : memref<!tpu.dma_semaphore, #tpu.memory_space<semaphore_mem>>
        %dma_start3A_135 = arith.constant 0 : i32
        %dma_start3A_136 = tpu.memref_slice %arg6[%add3A_129, %dma_start3A_135] : memref<10240x128xf32, #tpu.memory_space<hbm>> -> memref<64x128xf32, #tpu.memory_space<hbm>>
        %dma_start3A_137 = arith.constant 0 : i32
        %dma_start3A_138 = tpu.memref_slice %arg6[%add3A_129, %dma_start3A_137] : memref<10240x128xf32, #tpu.memory_space<hbm>> -> memref<64x128xf32, #tpu.memory_space<hbm>>
        tpu.enqueue_dma source(%arg12 : memref<64x128xf32, #tpu.memory_space<vmem>>) target(%dma_start3A_138 : memref<64x128xf32, #tpu.memory_space<hbm>>) target_semaphore(%run_scoped3A_134 : memref<!tpu.dma_semaphore, #tpu.memory_space<semaphore_mem>>)
        %dma_wait3A_139 = arith.constant 0 : i32
        %dma_wait3A_140 = tpu.memref_slice %arg6[%add3A_129, %dma_wait3A_139] : memref<10240x128xf32, #tpu.memory_space<hbm>> -> memref<64x128xf32, #tpu.memory_space<hbm>>
        %dma_wait3A_141 = arith.constant 0 : i32
        %dma_wait3A_142 = tpu.memref_slice %arg6[%add3A_129, %dma_wait3A_141] : memref<10240x128xf32, #tpu.memory_space<hbm>> -> memref<64x128xf32, #tpu.memory_space<hbm>>
        tpu.wait_dma2 semaphore(%run_scoped3A_134 : memref<!tpu.dma_semaphore, #tpu.memory_space<semaphore_mem>>) src(%arg12 : memref<64x128xf32, #tpu.memory_space<vmem>>) dst(%dma_wait3A_142 : memref<64x128xf32, #tpu.memory_space<hbm>>)
        tpu.yield
      }) : () -> ()
      %mul3A_130 = arith.constant 640 : i32
      %mul3A_131 = arith.muli %arg1, %mul3A_130 : i32
      %add3A_132 = arith.constant 576 : i32
      %add3A_133 = arith.addi %mul3A_131, %add3A_132 : i32
      "tpu.region"() ({
        %run_scoped3A_134 = tpu.sem_alloc : memref<!tpu.dma_semaphore, #tpu.memory_space<semaphore_mem>>
        %dma_start3A_135 = arith.constant 0 : i32
        %dma_start3A_136 = tpu.memref_slice %arg13[%add3A_133, %dma_start3A_135] : memref<10240x128xf32, #tpu.memory_space<vmem_shared>> -> memref<64x128xf32, #tpu.memory_space<vmem_shared>>
        %dma_start3A_137 = arith.constant 0 : i32
        %dma_start3A_138 = tpu.memref_slice %arg13[%add3A_133, %dma_start3A_137] : memref<10240x128xf32, #tpu.memory_space<vmem_shared>> -> memref<64x128xf32, #tpu.memory_space<vmem_shared>>
        tpu.enqueue_dma source(%dma_start3A_138 : memref<64x128xf32, #tpu.memory_space<vmem_shared>>) target(%arg12 : memref<64x128xf32, #tpu.memory_space<vmem>>) target_semaphore(%run_scoped3A_134 : memref<!tpu.dma_semaphore, #tpu.memory_space<semaphore_mem>>)
        %dma_wait3A_139 = arith.constant 0 : i32
        %dma_wait3A_140 = tpu.memref_slice %arg13[%add3A_133, %dma_wait3A_139] : memref<10240x128xf32, #tpu.memory_space<vmem_shared>> -> memref<64x128xf32, #tpu.memory_space<vmem_shared>>
        %dma_wait3A_141 = arith.constant 0 : i32
        %dma_wait3A_142 = tpu.memref_slice %arg13[%add3A_133, %dma_wait3A_141] : memref<10240x128xf32, #tpu.memory_space<vmem_shared>> -> memref<64x128xf32, #tpu.memory_space<vmem_shared>>
        tpu.wait_dma2 semaphore(%run_scoped3A_134 : memref<!tpu.dma_semaphore, #tpu.memory_space<semaphore_mem>>) src(%dma_wait3A_142 : memref<64x128xf32, #tpu.memory_space<vmem_shared>>) dst(%arg12 : memref<64x128xf32, #tpu.memory_space<vmem>>)
        tpu.yield
      }) : () -> ()
      "tpu.region"() ({
        %run_scoped3A_134 = tpu.sem_alloc : memref<!tpu.dma_semaphore, #tpu.memory_space<semaphore_mem>>
        %dma_start3A_135 = arith.constant 0 : i32
        %dma_start3A_136 = tpu.memref_slice %arg6[%add3A_133, %dma_start3A_135] : memref<10240x128xf32, #tpu.memory_space<hbm>> -> memref<64x128xf32, #tpu.memory_space<hbm>>
        %dma_start3A_137 = arith.constant 0 : i32
        %dma_start3A_138 = tpu.memref_slice %arg6[%add3A_133, %dma_start3A_137] : memref<10240x128xf32, #tpu.memory_space<hbm>> -> memref<64x128xf32, #tpu.memory_space<hbm>>
        tpu.enqueue_dma source(%arg12 : memref<64x128xf32, #tpu.memory_space<vmem>>) target(%dma_start3A_138 : memref<64x128xf32, #tpu.memory_space<hbm>>) target_semaphore(%run_scoped3A_134 : memref<!tpu.dma_semaphore, #tpu.memory_space<semaphore_mem>>)
        %dma_wait3A_139 = arith.constant 0 : i32
        %dma_wait3A_140 = tpu.memref_slice %arg6[%add3A_133, %dma_wait3A_139] : memref<10240x128xf32, #tpu.memory_space<hbm>> -> memref<64x128xf32, #tpu.memory_space<hbm>>
        %dma_wait3A_141 = arith.constant 0 : i32
        %dma_wait3A_142 = tpu.memref_slice %arg6[%add3A_133, %dma_wait3A_141] : memref<10240x128xf32, #tpu.memory_space<hbm>> -> memref<64x128xf32, #tpu.memory_space<hbm>>
        tpu.wait_dma2 semaphore(%run_scoped3A_134 : memref<!tpu.dma_semaphore, #tpu.memory_space<semaphore_mem>>) src(%arg12 : memref<64x128xf32, #tpu.memory_space<vmem>>) dst(%dma_wait3A_142 : memref<64x128xf32, #tpu.memory_space<hbm>>)
        tpu.yield
      }) : () -> ()
    } else {
    }
    %eq3A_89 = arith.constant 1 : i32
    %eq3A_90 = arith.cmpi eq, %arg0, %eq3A_89 : i32
    %convert_element_type3A_91 = arith.extui %eq3A_90 : i1 to i32
    %cond3A_92 = arith.constant 0 : i32
    %cond3A_93 = arith.cmpi ne, %convert_element_type3A_91, %cond3A_92 : i32
    scf.if %cond3A_93 {
      %mul3A_94 = arith.constant 640 : i32
      %mul3A_95 = arith.muli %arg1, %mul3A_94 : i32
      %add3A_96 = arith.constant 0 : i32
      %add3A_97 = arith.addi %mul3A_95, %add3A_96 : i32
      "tpu.region"() ({
        %run_scoped3A_134 = tpu.sem_alloc : memref<!tpu.dma_semaphore, #tpu.memory_space<semaphore_mem>>
        %dma_start3A_135 = arith.constant 0 : i32
        %dma_start3A_136 = tpu.memref_slice %arg13[%add3A_97, %dma_start3A_135] : memref<10240x128xf32, #tpu.memory_space<vmem_shared>> -> memref<64x128xf32, #tpu.memory_space<vmem_shared>>
        %dma_start3A_137 = arith.constant 0 : i32
        %dma_start3A_138 = tpu.memref_slice %arg13[%add3A_97, %dma_start3A_137] : memref<10240x128xf32, #tpu.memory_space<vmem_shared>> -> memref<64x128xf32, #tpu.memory_space<vmem_shared>>
        tpu.enqueue_dma source(%dma_start3A_138 : memref<64x128xf32, #tpu.memory_space<vmem_shared>>) target(%arg12 : memref<64x128xf32, #tpu.memory_space<vmem>>) target_semaphore(%run_scoped3A_134 : memref<!tpu.dma_semaphore, #tpu.memory_space<semaphore_mem>>)
        %dma_wait3A_139 = arith.constant 0 : i32
        %dma_wait3A_140 = tpu.memref_slice %arg13[%add3A_97, %dma_wait3A_139] : memref<10240x128xf32, #tpu.memory_space<vmem_shared>> -> memref<64x128xf32, #tpu.memory_space<vmem_shared>>
        %dma_wait3A_141 = arith.constant 0 : i32
        %dma_wait3A_142 = tpu.memref_slice %arg13[%add3A_97, %dma_wait3A_141] : memref<10240x128xf32, #tpu.memory_space<vmem_shared>> -> memref<64x128xf32, #tpu.memory_space<vmem_shared>>
        tpu.wait_dma2 semaphore(%run_scoped3A_134 : memref<!tpu.dma_semaphore, #tpu.memory_space<semaphore_mem>>) src(%dma_wait3A_142 : memref<64x128xf32, #tpu.memory_space<vmem_shared>>) dst(%arg12 : memref<64x128xf32, #tpu.memory_space<vmem>>)
        tpu.yield
      }) : () -> ()
      "tpu.region"() ({
        %run_scoped3A_134 = tpu.sem_alloc : memref<!tpu.dma_semaphore, #tpu.memory_space<semaphore_mem>>
        %dma_start3A_135 = arith.constant 0 : i32
        %dma_start3A_136 = tpu.memref_slice %arg7[%add3A_97, %dma_start3A_135] : memref<10240x128xf32, #tpu.memory_space<hbm>> -> memref<64x128xf32, #tpu.memory_space<hbm>>
        %dma_start3A_137 = arith.constant 0 : i32
        %dma_start3A_138 = tpu.memref_slice %arg7[%add3A_97, %dma_start3A_137] : memref<10240x128xf32, #tpu.memory_space<hbm>> -> memref<64x128xf32, #tpu.memory_space<hbm>>
        tpu.enqueue_dma source(%arg12 : memref<64x128xf32, #tpu.memory_space<vmem>>) target(%dma_start3A_138 : memref<64x128xf32, #tpu.memory_space<hbm>>) target_semaphore(%run_scoped3A_134 : memref<!tpu.dma_semaphore, #tpu.memory_space<semaphore_mem>>)
        %dma_wait3A_139 = arith.constant 0 : i32
        %dma_wait3A_140 = tpu.memref_slice %arg7[%add3A_97, %dma_wait3A_139] : memref<10240x128xf32, #tpu.memory_space<hbm>> -> memref<64x128xf32, #tpu.memory_space<hbm>>
        %dma_wait3A_141 = arith.constant 0 : i32
        %dma_wait3A_142 = tpu.memref_slice %arg7[%add3A_97, %dma_wait3A_141] : memref<10240x128xf32, #tpu.memory_space<hbm>> -> memref<64x128xf32, #tpu.memory_space<hbm>>
        tpu.wait_dma2 semaphore(%run_scoped3A_134 : memref<!tpu.dma_semaphore, #tpu.memory_space<semaphore_mem>>) src(%arg12 : memref<64x128xf32, #tpu.memory_space<vmem>>) dst(%dma_wait3A_142 : memref<64x128xf32, #tpu.memory_space<hbm>>)
        tpu.yield
      }) : () -> ()
      %mul3A_98 = arith.constant 640 : i32
      %mul3A_99 = arith.muli %arg1, %mul3A_98 : i32
      %add3A_100 = arith.constant 64 : i32
      %add3A_101 = arith.addi %mul3A_99, %add3A_100 : i32
      "tpu.region"() ({
        %run_scoped3A_134 = tpu.sem_alloc : memref<!tpu.dma_semaphore, #tpu.memory_space<semaphore_mem>>
        %dma_start3A_135 = arith.constant 0 : i32
        %dma_start3A_136 = tpu.memref_slice %arg13[%add3A_101, %dma_start3A_135] : memref<10240x128xf32, #tpu.memory_space<vmem_shared>> -> memref<64x128xf32, #tpu.memory_space<vmem_shared>>
        %dma_start3A_137 = arith.constant 0 : i32
        %dma_start3A_138 = tpu.memref_slice %arg13[%add3A_101, %dma_start3A_137] : memref<10240x128xf32, #tpu.memory_space<vmem_shared>> -> memref<64x128xf32, #tpu.memory_space<vmem_shared>>
        tpu.enqueue_dma source(%dma_start3A_138 : memref<64x128xf32, #tpu.memory_space<vmem_shared>>) target(%arg12 : memref<64x128xf32, #tpu.memory_space<vmem>>) target_semaphore(%run_scoped3A_134 : memref<!tpu.dma_semaphore, #tpu.memory_space<semaphore_mem>>)
        %dma_wait3A_139 = arith.constant 0 : i32
        %dma_wait3A_140 = tpu.memref_slice %arg13[%add3A_101, %dma_wait3A_139] : memref<10240x128xf32, #tpu.memory_space<vmem_shared>> -> memref<64x128xf32, #tpu.memory_space<vmem_shared>>
        %dma_wait3A_141 = arith.constant 0 : i32
        %dma_wait3A_142 = tpu.memref_slice %arg13[%add3A_101, %dma_wait3A_141] : memref<10240x128xf32, #tpu.memory_space<vmem_shared>> -> memref<64x128xf32, #tpu.memory_space<vmem_shared>>
        tpu.wait_dma2 semaphore(%run_scoped3A_134 : memref<!tpu.dma_semaphore, #tpu.memory_space<semaphore_mem>>) src(%dma_wait3A_142 : memref<64x128xf32, #tpu.memory_space<vmem_shared>>) dst(%arg12 : memref<64x128xf32, #tpu.memory_space<vmem>>)
        tpu.yield
      }) : () -> ()
      "tpu.region"() ({
        %run_scoped3A_134 = tpu.sem_alloc : memref<!tpu.dma_semaphore, #tpu.memory_space<semaphore_mem>>
        %dma_start3A_135 = arith.constant 0 : i32
        %dma_start3A_136 = tpu.memref_slice %arg7[%add3A_101, %dma_start3A_135] : memref<10240x128xf32, #tpu.memory_space<hbm>> -> memref<64x128xf32, #tpu.memory_space<hbm>>
        %dma_start3A_137 = arith.constant 0 : i32
        %dma_start3A_138 = tpu.memref_slice %arg7[%add3A_101, %dma_start3A_137] : memref<10240x128xf32, #tpu.memory_space<hbm>> -> memref<64x128xf32, #tpu.memory_space<hbm>>
        tpu.enqueue_dma source(%arg12 : memref<64x128xf32, #tpu.memory_space<vmem>>) target(%dma_start3A_138 : memref<64x128xf32, #tpu.memory_space<hbm>>) target_semaphore(%run_scoped3A_134 : memref<!tpu.dma_semaphore, #tpu.memory_space<semaphore_mem>>)
        %dma_wait3A_139 = arith.constant 0 : i32
        %dma_wait3A_140 = tpu.memref_slice %arg7[%add3A_101, %dma_wait3A_139] : memref<10240x128xf32, #tpu.memory_space<hbm>> -> memref<64x128xf32, #tpu.memory_space<hbm>>
        %dma_wait3A_141 = arith.constant 0 : i32
        %dma_wait3A_142 = tpu.memref_slice %arg7[%add3A_101, %dma_wait3A_141] : memref<10240x128xf32, #tpu.memory_space<hbm>> -> memref<64x128xf32, #tpu.memory_space<hbm>>
        tpu.wait_dma2 semaphore(%run_scoped3A_134 : memref<!tpu.dma_semaphore, #tpu.memory_space<semaphore_mem>>) src(%arg12 : memref<64x128xf32, #tpu.memory_space<vmem>>) dst(%dma_wait3A_142 : memref<64x128xf32, #tpu.memory_space<hbm>>)
        tpu.yield
      }) : () -> ()
      %mul3A_102 = arith.constant 640 : i32
      %mul3A_103 = arith.muli %arg1, %mul3A_102 : i32
      %add3A_104 = arith.constant 128 : i32
      %add3A_105 = arith.addi %mul3A_103, %add3A_104 : i32
      "tpu.region"() ({
        %run_scoped3A_134 = tpu.sem_alloc : memref<!tpu.dma_semaphore, #tpu.memory_space<semaphore_mem>>
        %dma_start3A_135 = arith.constant 0 : i32
        %dma_start3A_136 = tpu.memref_slice %arg13[%add3A_105, %dma_start3A_135] : memref<10240x128xf32, #tpu.memory_space<vmem_shared>> -> memref<64x128xf32, #tpu.memory_space<vmem_shared>>
        %dma_start3A_137 = arith.constant 0 : i32
        %dma_start3A_138 = tpu.memref_slice %arg13[%add3A_105, %dma_start3A_137] : memref<10240x128xf32, #tpu.memory_space<vmem_shared>> -> memref<64x128xf32, #tpu.memory_space<vmem_shared>>
        tpu.enqueue_dma source(%dma_start3A_138 : memref<64x128xf32, #tpu.memory_space<vmem_shared>>) target(%arg12 : memref<64x128xf32, #tpu.memory_space<vmem>>) target_semaphore(%run_scoped3A_134 : memref<!tpu.dma_semaphore, #tpu.memory_space<semaphore_mem>>)
        %dma_wait3A_139 = arith.constant 0 : i32
        %dma_wait3A_140 = tpu.memref_slice %arg13[%add3A_105, %dma_wait3A_139] : memref<10240x128xf32, #tpu.memory_space<vmem_shared>> -> memref<64x128xf32, #tpu.memory_space<vmem_shared>>
        %dma_wait3A_141 = arith.constant 0 : i32
        %dma_wait3A_142 = tpu.memref_slice %arg13[%add3A_105, %dma_wait3A_141] : memref<10240x128xf32, #tpu.memory_space<vmem_shared>> -> memref<64x128xf32, #tpu.memory_space<vmem_shared>>
        tpu.wait_dma2 semaphore(%run_scoped3A_134 : memref<!tpu.dma_semaphore, #tpu.memory_space<semaphore_mem>>) src(%dma_wait3A_142 : memref<64x128xf32, #tpu.memory_space<vmem_shared>>) dst(%arg12 : memref<64x128xf32, #tpu.memory_space<vmem>>)
        tpu.yield
      }) : () -> ()
      "tpu.region"() ({
        %run_scoped3A_134 = tpu.sem_alloc : memref<!tpu.dma_semaphore, #tpu.memory_space<semaphore_mem>>
        %dma_start3A_135 = arith.constant 0 : i32
        %dma_start3A_136 = tpu.memref_slice %arg7[%add3A_105, %dma_start3A_135] : memref<10240x128xf32, #tpu.memory_space<hbm>> -> memref<64x128xf32, #tpu.memory_space<hbm>>
        %dma_start3A_137 = arith.constant 0 : i32
        %dma_start3A_138 = tpu.memref_slice %arg7[%add3A_105, %dma_start3A_137] : memref<10240x128xf32, #tpu.memory_space<hbm>> -> memref<64x128xf32, #tpu.memory_space<hbm>>
        tpu.enqueue_dma source(%arg12 : memref<64x128xf32, #tpu.memory_space<vmem>>) target(%dma_start3A_138 : memref<64x128xf32, #tpu.memory_space<hbm>>) target_semaphore(%run_scoped3A_134 : memref<!tpu.dma_semaphore, #tpu.memory_space<semaphore_mem>>)
        %dma_wait3A_139 = arith.constant 0 : i32
        %dma_wait3A_140 = tpu.memref_slice %arg7[%add3A_105, %dma_wait3A_139] : memref<10240x128xf32, #tpu.memory_space<hbm>> -> memref<64x128xf32, #tpu.memory_space<hbm>>
        %dma_wait3A_141 = arith.constant 0 : i32
        %dma_wait3A_142 = tpu.memref_slice %arg7[%add3A_105, %dma_wait3A_141] : memref<10240x128xf32, #tpu.memory_space<hbm>> -> memref<64x128xf32, #tpu.memory_space<hbm>>
        tpu.wait_dma2 semaphore(%run_scoped3A_134 : memref<!tpu.dma_semaphore, #tpu.memory_space<semaphore_mem>>) src(%arg12 : memref<64x128xf32, #tpu.memory_space<vmem>>) dst(%dma_wait3A_142 : memref<64x128xf32, #tpu.memory_space<hbm>>)
        tpu.yield
      }) : () -> ()
      %mul3A_106 = arith.constant 640 : i32
      %mul3A_107 = arith.muli %arg1, %mul3A_106 : i32
      %add3A_108 = arith.constant 192 : i32
      %add3A_109 = arith.addi %mul3A_107, %add3A_108 : i32
      "tpu.region"() ({
        %run_scoped3A_134 = tpu.sem_alloc : memref<!tpu.dma_semaphore, #tpu.memory_space<semaphore_mem>>
        %dma_start3A_135 = arith.constant 0 : i32
        %dma_start3A_136 = tpu.memref_slice %arg13[%add3A_109, %dma_start3A_135] : memref<10240x128xf32, #tpu.memory_space<vmem_shared>> -> memref<64x128xf32, #tpu.memory_space<vmem_shared>>
        %dma_start3A_137 = arith.constant 0 : i32
        %dma_start3A_138 = tpu.memref_slice %arg13[%add3A_109, %dma_start3A_137] : memref<10240x128xf32, #tpu.memory_space<vmem_shared>> -> memref<64x128xf32, #tpu.memory_space<vmem_shared>>
        tpu.enqueue_dma source(%dma_start3A_138 : memref<64x128xf32, #tpu.memory_space<vmem_shared>>) target(%arg12 : memref<64x128xf32, #tpu.memory_space<vmem>>) target_semaphore(%run_scoped3A_134 : memref<!tpu.dma_semaphore, #tpu.memory_space<semaphore_mem>>)
        %dma_wait3A_139 = arith.constant 0 : i32
        %dma_wait3A_140 = tpu.memref_slice %arg13[%add3A_109, %dma_wait3A_139] : memref<10240x128xf32, #tpu.memory_space<vmem_shared>> -> memref<64x128xf32, #tpu.memory_space<vmem_shared>>
        %dma_wait3A_141 = arith.constant 0 : i32
        %dma_wait3A_142 = tpu.memref_slice %arg13[%add3A_109, %dma_wait3A_141] : memref<10240x128xf32, #tpu.memory_space<vmem_shared>> -> memref<64x128xf32, #tpu.memory_space<vmem_shared>>
        tpu.wait_dma2 semaphore(%run_scoped3A_134 : memref<!tpu.dma_semaphore, #tpu.memory_space<semaphore_mem>>) src(%dma_wait3A_142 : memref<64x128xf32, #tpu.memory_space<vmem_shared>>) dst(%arg12 : memref<64x128xf32, #tpu.memory_space<vmem>>)
        tpu.yield
      }) : () -> ()
      "tpu.region"() ({
        %run_scoped3A_134 = tpu.sem_alloc : memref<!tpu.dma_semaphore, #tpu.memory_space<semaphore_mem>>
        %dma_start3A_135 = arith.constant 0 : i32
        %dma_start3A_136 = tpu.memref_slice %arg7[%add3A_109, %dma_start3A_135] : memref<10240x128xf32, #tpu.memory_space<hbm>> -> memref<64x128xf32, #tpu.memory_space<hbm>>
        %dma_start3A_137 = arith.constant 0 : i32
        %dma_start3A_138 = tpu.memref_slice %arg7[%add3A_109, %dma_start3A_137] : memref<10240x128xf32, #tpu.memory_space<hbm>> -> memref<64x128xf32, #tpu.memory_space<hbm>>
        tpu.enqueue_dma source(%arg12 : memref<64x128xf32, #tpu.memory_space<vmem>>) target(%dma_start3A_138 : memref<64x128xf32, #tpu.memory_space<hbm>>) target_semaphore(%run_scoped3A_134 : memref<!tpu.dma_semaphore, #tpu.memory_space<semaphore_mem>>)
        %dma_wait3A_139 = arith.constant 0 : i32
        %dma_wait3A_140 = tpu.memref_slice %arg7[%add3A_109, %dma_wait3A_139] : memref<10240x128xf32, #tpu.memory_space<hbm>> -> memref<64x128xf32, #tpu.memory_space<hbm>>
        %dma_wait3A_141 = arith.constant 0 : i32
        %dma_wait3A_142 = tpu.memref_slice %arg7[%add3A_109, %dma_wait3A_141] : memref<10240x128xf32, #tpu.memory_space<hbm>> -> memref<64x128xf32, #tpu.memory_space<hbm>>
        tpu.wait_dma2 semaphore(%run_scoped3A_134 : memref<!tpu.dma_semaphore, #tpu.memory_space<semaphore_mem>>) src(%arg12 : memref<64x128xf32, #tpu.memory_space<vmem>>) dst(%dma_wait3A_142 : memref<64x128xf32, #tpu.memory_space<hbm>>)
        tpu.yield
      }) : () -> ()
      %mul3A_110 = arith.constant 640 : i32
      %mul3A_111 = arith.muli %arg1, %mul3A_110 : i32
      %add3A_112 = arith.constant 256 : i32
      %add3A_113 = arith.addi %mul3A_111, %add3A_112 : i32
      "tpu.region"() ({
        %run_scoped3A_134 = tpu.sem_alloc : memref<!tpu.dma_semaphore, #tpu.memory_space<semaphore_mem>>
        %dma_start3A_135 = arith.constant 0 : i32
        %dma_start3A_136 = tpu.memref_slice %arg13[%add3A_113, %dma_start3A_135] : memref<10240x128xf32, #tpu.memory_space<vmem_shared>> -> memref<64x128xf32, #tpu.memory_space<vmem_shared>>
        %dma_start3A_137 = arith.constant 0 : i32
        %dma_start3A_138 = tpu.memref_slice %arg13[%add3A_113, %dma_start3A_137] : memref<10240x128xf32, #tpu.memory_space<vmem_shared>> -> memref<64x128xf32, #tpu.memory_space<vmem_shared>>
        tpu.enqueue_dma source(%dma_start3A_138 : memref<64x128xf32, #tpu.memory_space<vmem_shared>>) target(%arg12 : memref<64x128xf32, #tpu.memory_space<vmem>>) target_semaphore(%run_scoped3A_134 : memref<!tpu.dma_semaphore, #tpu.memory_space<semaphore_mem>>)
        %dma_wait3A_139 = arith.constant 0 : i32
        %dma_wait3A_140 = tpu.memref_slice %arg13[%add3A_113, %dma_wait3A_139] : memref<10240x128xf32, #tpu.memory_space<vmem_shared>> -> memref<64x128xf32, #tpu.memory_space<vmem_shared>>
        %dma_wait3A_141 = arith.constant 0 : i32
        %dma_wait3A_142 = tpu.memref_slice %arg13[%add3A_113, %dma_wait3A_141] : memref<10240x128xf32, #tpu.memory_space<vmem_shared>> -> memref<64x128xf32, #tpu.memory_space<vmem_shared>>
        tpu.wait_dma2 semaphore(%run_scoped3A_134 : memref<!tpu.dma_semaphore, #tpu.memory_space<semaphore_mem>>) src(%dma_wait3A_142 : memref<64x128xf32, #tpu.memory_space<vmem_shared>>) dst(%arg12 : memref<64x128xf32, #tpu.memory_space<vmem>>)
        tpu.yield
      }) : () -> ()
      "tpu.region"() ({
        %run_scoped3A_134 = tpu.sem_alloc : memref<!tpu.dma_semaphore, #tpu.memory_space<semaphore_mem>>
        %dma_start3A_135 = arith.constant 0 : i32
        %dma_start3A_136 = tpu.memref_slice %arg7[%add3A_113, %dma_start3A_135] : memref<10240x128xf32, #tpu.memory_space<hbm>> -> memref<64x128xf32, #tpu.memory_space<hbm>>
        %dma_start3A_137 = arith.constant 0 : i32
        %dma_start3A_138 = tpu.memref_slice %arg7[%add3A_113, %dma_start3A_137] : memref<10240x128xf32, #tpu.memory_space<hbm>> -> memref<64x128xf32, #tpu.memory_space<hbm>>
        tpu.enqueue_dma source(%arg12 : memref<64x128xf32, #tpu.memory_space<vmem>>) target(%dma_start3A_138 : memref<64x128xf32, #tpu.memory_space<hbm>>) target_semaphore(%run_scoped3A_134 : memref<!tpu.dma_semaphore, #tpu.memory_space<semaphore_mem>>)
        %dma_wait3A_139 = arith.constant 0 : i32
        %dma_wait3A_140 = tpu.memref_slice %arg7[%add3A_113, %dma_wait3A_139] : memref<10240x128xf32, #tpu.memory_space<hbm>> -> memref<64x128xf32, #tpu.memory_space<hbm>>
        %dma_wait3A_141 = arith.constant 0 : i32
        %dma_wait3A_142 = tpu.memref_slice %arg7[%add3A_113, %dma_wait3A_141] : memref<10240x128xf32, #tpu.memory_space<hbm>> -> memref<64x128xf32, #tpu.memory_space<hbm>>
        tpu.wait_dma2 semaphore(%run_scoped3A_134 : memref<!tpu.dma_semaphore, #tpu.memory_space<semaphore_mem>>) src(%arg12 : memref<64x128xf32, #tpu.memory_space<vmem>>) dst(%dma_wait3A_142 : memref<64x128xf32, #tpu.memory_space<hbm>>)
        tpu.yield
      }) : () -> ()
      %mul3A_114 = arith.constant 640 : i32
      %mul3A_115 = arith.muli %arg1, %mul3A_114 : i32
      %add3A_116 = arith.constant 320 : i32
      %add3A_117 = arith.addi %mul3A_115, %add3A_116 : i32
      "tpu.region"() ({
        %run_scoped3A_134 = tpu.sem_alloc : memref<!tpu.dma_semaphore, #tpu.memory_space<semaphore_mem>>
        %dma_start3A_135 = arith.constant 0 : i32
        %dma_start3A_136 = tpu.memref_slice %arg13[%add3A_117, %dma_start3A_135] : memref<10240x128xf32, #tpu.memory_space<vmem_shared>> -> memref<64x128xf32, #tpu.memory_space<vmem_shared>>
        %dma_start3A_137 = arith.constant 0 : i32
        %dma_start3A_138 = tpu.memref_slice %arg13[%add3A_117, %dma_start3A_137] : memref<10240x128xf32, #tpu.memory_space<vmem_shared>> -> memref<64x128xf32, #tpu.memory_space<vmem_shared>>
        tpu.enqueue_dma source(%dma_start3A_138 : memref<64x128xf32, #tpu.memory_space<vmem_shared>>) target(%arg12 : memref<64x128xf32, #tpu.memory_space<vmem>>) target_semaphore(%run_scoped3A_134 : memref<!tpu.dma_semaphore, #tpu.memory_space<semaphore_mem>>)
        %dma_wait3A_139 = arith.constant 0 : i32
        %dma_wait3A_140 = tpu.memref_slice %arg13[%add3A_117, %dma_wait3A_139] : memref<10240x128xf32, #tpu.memory_space<vmem_shared>> -> memref<64x128xf32, #tpu.memory_space<vmem_shared>>
        %dma_wait3A_141 = arith.constant 0 : i32
        %dma_wait3A_142 = tpu.memref_slice %arg13[%add3A_117, %dma_wait3A_141] : memref<10240x128xf32, #tpu.memory_space<vmem_shared>> -> memref<64x128xf32, #tpu.memory_space<vmem_shared>>
        tpu.wait_dma2 semaphore(%run_scoped3A_134 : memref<!tpu.dma_semaphore, #tpu.memory_space<semaphore_mem>>) src(%dma_wait3A_142 : memref<64x128xf32, #tpu.memory_space<vmem_shared>>) dst(%arg12 : memref<64x128xf32, #tpu.memory_space<vmem>>)
        tpu.yield
      }) : () -> ()
      "tpu.region"() ({
        %run_scoped3A_134 = tpu.sem_alloc : memref<!tpu.dma_semaphore, #tpu.memory_space<semaphore_mem>>
        %dma_start3A_135 = arith.constant 0 : i32
        %dma_start3A_136 = tpu.memref_slice %arg7[%add3A_117, %dma_start3A_135] : memref<10240x128xf32, #tpu.memory_space<hbm>> -> memref<64x128xf32, #tpu.memory_space<hbm>>
        %dma_start3A_137 = arith.constant 0 : i32
        %dma_start3A_138 = tpu.memref_slice %arg7[%add3A_117, %dma_start3A_137] : memref<10240x128xf32, #tpu.memory_space<hbm>> -> memref<64x128xf32, #tpu.memory_space<hbm>>
        tpu.enqueue_dma source(%arg12 : memref<64x128xf32, #tpu.memory_space<vmem>>) target(%dma_start3A_138 : memref<64x128xf32, #tpu.memory_space<hbm>>) target_semaphore(%run_scoped3A_134 : memref<!tpu.dma_semaphore, #tpu.memory_space<semaphore_mem>>)
        %dma_wait3A_139 = arith.constant 0 : i32
        %dma_wait3A_140 = tpu.memref_slice %arg7[%add3A_117, %dma_wait3A_139] : memref<10240x128xf32, #tpu.memory_space<hbm>> -> memref<64x128xf32, #tpu.memory_space<hbm>>
        %dma_wait3A_141 = arith.constant 0 : i32
        %dma_wait3A_142 = tpu.memref_slice %arg7[%add3A_117, %dma_wait3A_141] : memref<10240x128xf32, #tpu.memory_space<hbm>> -> memref<64x128xf32, #tpu.memory_space<hbm>>
        tpu.wait_dma2 semaphore(%run_scoped3A_134 : memref<!tpu.dma_semaphore, #tpu.memory_space<semaphore_mem>>) src(%arg12 : memref<64x128xf32, #tpu.memory_space<vmem>>) dst(%dma_wait3A_142 : memref<64x128xf32, #tpu.memory_space<hbm>>)
        tpu.yield
      }) : () -> ()
      %mul3A_118 = arith.constant 640 : i32
      %mul3A_119 = arith.muli %arg1, %mul3A_118 : i32
      %add3A_120 = arith.constant 384 : i32
      %add3A_121 = arith.addi %mul3A_119, %add3A_120 : i32
      "tpu.region"() ({
        %run_scoped3A_134 = tpu.sem_alloc : memref<!tpu.dma_semaphore, #tpu.memory_space<semaphore_mem>>
        %dma_start3A_135 = arith.constant 0 : i32
        %dma_start3A_136 = tpu.memref_slice %arg13[%add3A_121, %dma_start3A_135] : memref<10240x128xf32, #tpu.memory_space<vmem_shared>> -> memref<64x128xf32, #tpu.memory_space<vmem_shared>>
        %dma_start3A_137 = arith.constant 0 : i32
        %dma_start3A_138 = tpu.memref_slice %arg13[%add3A_121, %dma_start3A_137] : memref<10240x128xf32, #tpu.memory_space<vmem_shared>> -> memref<64x128xf32, #tpu.memory_space<vmem_shared>>
        tpu.enqueue_dma source(%dma_start3A_138 : memref<64x128xf32, #tpu.memory_space<vmem_shared>>) target(%arg12 : memref<64x128xf32, #tpu.memory_space<vmem>>) target_semaphore(%run_scoped3A_134 : memref<!tpu.dma_semaphore, #tpu.memory_space<semaphore_mem>>)
        %dma_wait3A_139 = arith.constant 0 : i32
        %dma_wait3A_140 = tpu.memref_slice %arg13[%add3A_121, %dma_wait3A_139] : memref<10240x128xf32, #tpu.memory_space<vmem_shared>> -> memref<64x128xf32, #tpu.memory_space<vmem_shared>>
        %dma_wait3A_141 = arith.constant 0 : i32
        %dma_wait3A_142 = tpu.memref_slice %arg13[%add3A_121, %dma_wait3A_141] : memref<10240x128xf32, #tpu.memory_space<vmem_shared>> -> memref<64x128xf32, #tpu.memory_space<vmem_shared>>
        tpu.wait_dma2 semaphore(%run_scoped3A_134 : memref<!tpu.dma_semaphore, #tpu.memory_space<semaphore_mem>>) src(%dma_wait3A_142 : memref<64x128xf32, #tpu.memory_space<vmem_shared>>) dst(%arg12 : memref<64x128xf32, #tpu.memory_space<vmem>>)
        tpu.yield
      }) : () -> ()
      "tpu.region"() ({
        %run_scoped3A_134 = tpu.sem_alloc : memref<!tpu.dma_semaphore, #tpu.memory_space<semaphore_mem>>
        %dma_start3A_135 = arith.constant 0 : i32
        %dma_start3A_136 = tpu.memref_slice %arg7[%add3A_121, %dma_start3A_135] : memref<10240x128xf32, #tpu.memory_space<hbm>> -> memref<64x128xf32, #tpu.memory_space<hbm>>
        %dma_start3A_137 = arith.constant 0 : i32
        %dma_start3A_138 = tpu.memref_slice %arg7[%add3A_121, %dma_start3A_137] : memref<10240x128xf32, #tpu.memory_space<hbm>> -> memref<64x128xf32, #tpu.memory_space<hbm>>
        tpu.enqueue_dma source(%arg12 : memref<64x128xf32, #tpu.memory_space<vmem>>) target(%dma_start3A_138 : memref<64x128xf32, #tpu.memory_space<hbm>>) target_semaphore(%run_scoped3A_134 : memref<!tpu.dma_semaphore, #tpu.memory_space<semaphore_mem>>)
        %dma_wait3A_139 = arith.constant 0 : i32
        %dma_wait3A_140 = tpu.memref_slice %arg7[%add3A_121, %dma_wait3A_139] : memref<10240x128xf32, #tpu.memory_space<hbm>> -> memref<64x128xf32, #tpu.memory_space<hbm>>
        %dma_wait3A_141 = arith.constant 0 : i32
        %dma_wait3A_142 = tpu.memref_slice %arg7[%add3A_121, %dma_wait3A_141] : memref<10240x128xf32, #tpu.memory_space<hbm>> -> memref<64x128xf32, #tpu.memory_space<hbm>>
        tpu.wait_dma2 semaphore(%run_scoped3A_134 : memref<!tpu.dma_semaphore, #tpu.memory_space<semaphore_mem>>) src(%arg12 : memref<64x128xf32, #tpu.memory_space<vmem>>) dst(%dma_wait3A_142 : memref<64x128xf32, #tpu.memory_space<hbm>>)
        tpu.yield
      }) : () -> ()
      %mul3A_122 = arith.constant 640 : i32
      %mul3A_123 = arith.muli %arg1, %mul3A_122 : i32
      %add3A_124 = arith.constant 448 : i32
      %add3A_125 = arith.addi %mul3A_123, %add3A_124 : i32
      "tpu.region"() ({
        %run_scoped3A_134 = tpu.sem_alloc : memref<!tpu.dma_semaphore, #tpu.memory_space<semaphore_mem>>
        %dma_start3A_135 = arith.constant 0 : i32
        %dma_start3A_136 = tpu.memref_slice %arg13[%add3A_125, %dma_start3A_135] : memref<10240x128xf32, #tpu.memory_space<vmem_shared>> -> memref<64x128xf32, #tpu.memory_space<vmem_shared>>
        %dma_start3A_137 = arith.constant 0 : i32
        %dma_start3A_138 = tpu.memref_slice %arg13[%add3A_125, %dma_start3A_137] : memref<10240x128xf32, #tpu.memory_space<vmem_shared>> -> memref<64x128xf32, #tpu.memory_space<vmem_shared>>
        tpu.enqueue_dma source(%dma_start3A_138 : memref<64x128xf32, #tpu.memory_space<vmem_shared>>) target(%arg12 : memref<64x128xf32, #tpu.memory_space<vmem>>) target_semaphore(%run_scoped3A_134 : memref<!tpu.dma_semaphore, #tpu.memory_space<semaphore_mem>>)
        %dma_wait3A_139 = arith.constant 0 : i32
        %dma_wait3A_140 = tpu.memref_slice %arg13[%add3A_125, %dma_wait3A_139] : memref<10240x128xf32, #tpu.memory_space<vmem_shared>> -> memref<64x128xf32, #tpu.memory_space<vmem_shared>>
        %dma_wait3A_141 = arith.constant 0 : i32
        %dma_wait3A_142 = tpu.memref_slice %arg13[%add3A_125, %dma_wait3A_141] : memref<10240x128xf32, #tpu.memory_space<vmem_shared>> -> memref<64x128xf32, #tpu.memory_space<vmem_shared>>
        tpu.wait_dma2 semaphore(%run_scoped3A_134 : memref<!tpu.dma_semaphore, #tpu.memory_space<semaphore_mem>>) src(%dma_wait3A_142 : memref<64x128xf32, #tpu.memory_space<vmem_shared>>) dst(%arg12 : memref<64x128xf32, #tpu.memory_space<vmem>>)
        tpu.yield
      }) : () -> ()
      "tpu.region"() ({
        %run_scoped3A_134 = tpu.sem_alloc : memref<!tpu.dma_semaphore, #tpu.memory_space<semaphore_mem>>
        %dma_start3A_135 = arith.constant 0 : i32
        %dma_start3A_136 = tpu.memref_slice %arg7[%add3A_125, %dma_start3A_135] : memref<10240x128xf32, #tpu.memory_space<hbm>> -> memref<64x128xf32, #tpu.memory_space<hbm>>
        %dma_start3A_137 = arith.constant 0 : i32
        %dma_start3A_138 = tpu.memref_slice %arg7[%add3A_125, %dma_start3A_137] : memref<10240x128xf32, #tpu.memory_space<hbm>> -> memref<64x128xf32, #tpu.memory_space<hbm>>
        tpu.enqueue_dma source(%arg12 : memref<64x128xf32, #tpu.memory_space<vmem>>) target(%dma_start3A_138 : memref<64x128xf32, #tpu.memory_space<hbm>>) target_semaphore(%run_scoped3A_134 : memref<!tpu.dma_semaphore, #tpu.memory_space<semaphore_mem>>)
        %dma_wait3A_139 = arith.constant 0 : i32
        %dma_wait3A_140 = tpu.memref_slice %arg7[%add3A_125, %dma_wait3A_139] : memref<10240x128xf32, #tpu.memory_space<hbm>> -> memref<64x128xf32, #tpu.memory_space<hbm>>
        %dma_wait3A_141 = arith.constant 0 : i32
        %dma_wait3A_142 = tpu.memref_slice %arg7[%add3A_125, %dma_wait3A_141] : memref<10240x128xf32, #tpu.memory_space<hbm>> -> memref<64x128xf32, #tpu.memory_space<hbm>>
        tpu.wait_dma2 semaphore(%run_scoped3A_134 : memref<!tpu.dma_semaphore, #tpu.memory_space<semaphore_mem>>) src(%arg12 : memref<64x128xf32, #tpu.memory_space<vmem>>) dst(%dma_wait3A_142 : memref<64x128xf32, #tpu.memory_space<hbm>>)
        tpu.yield
      }) : () -> ()
      %mul3A_126 = arith.constant 640 : i32
      %mul3A_127 = arith.muli %arg1, %mul3A_126 : i32
      %add3A_128 = arith.constant 512 : i32
      %add3A_129 = arith.addi %mul3A_127, %add3A_128 : i32
      "tpu.region"() ({
        %run_scoped3A_134 = tpu.sem_alloc : memref<!tpu.dma_semaphore, #tpu.memory_space<semaphore_mem>>
        %dma_start3A_135 = arith.constant 0 : i32
        %dma_start3A_136 = tpu.memref_slice %arg13[%add3A_129, %dma_start3A_135] : memref<10240x128xf32, #tpu.memory_space<vmem_shared>> -> memref<64x128xf32, #tpu.memory_space<vmem_shared>>
        %dma_start3A_137 = arith.constant 0 : i32
        %dma_start3A_138 = tpu.memref_slice %arg13[%add3A_129, %dma_start3A_137] : memref<10240x128xf32, #tpu.memory_space<vmem_shared>> -> memref<64x128xf32, #tpu.memory_space<vmem_shared>>
        tpu.enqueue_dma source(%dma_start3A_138 : memref<64x128xf32, #tpu.memory_space<vmem_shared>>) target(%arg12 : memref<64x128xf32, #tpu.memory_space<vmem>>) target_semaphore(%run_scoped3A_134 : memref<!tpu.dma_semaphore, #tpu.memory_space<semaphore_mem>>)
        %dma_wait3A_139 = arith.constant 0 : i32
        %dma_wait3A_140 = tpu.memref_slice %arg13[%add3A_129, %dma_wait3A_139] : memref<10240x128xf32, #tpu.memory_space<vmem_shared>> -> memref<64x128xf32, #tpu.memory_space<vmem_shared>>
        %dma_wait3A_141 = arith.constant 0 : i32
        %dma_wait3A_142 = tpu.memref_slice %arg13[%add3A_129, %dma_wait3A_141] : memref<10240x128xf32, #tpu.memory_space<vmem_shared>> -> memref<64x128xf32, #tpu.memory_space<vmem_shared>>
        tpu.wait_dma2 semaphore(%run_scoped3A_134 : memref<!tpu.dma_semaphore, #tpu.memory_space<semaphore_mem>>) src(%dma_wait3A_142 : memref<64x128xf32, #tpu.memory_space<vmem_shared>>) dst(%arg12 : memref<64x128xf32, #tpu.memory_space<vmem>>)
        tpu.yield
      }) : () -> ()
      "tpu.region"() ({
        %run_scoped3A_134 = tpu.sem_alloc : memref<!tpu.dma_semaphore, #tpu.memory_space<semaphore_mem>>
        %dma_start3A_135 = arith.constant 0 : i32
        %dma_start3A_136 = tpu.memref_slice %arg7[%add3A_129, %dma_start3A_135] : memref<10240x128xf32, #tpu.memory_space<hbm>> -> memref<64x128xf32, #tpu.memory_space<hbm>>
        %dma_start3A_137 = arith.constant 0 : i32
        %dma_start3A_138 = tpu.memref_slice %arg7[%add3A_129, %dma_start3A_137] : memref<10240x128xf32, #tpu.memory_space<hbm>> -> memref<64x128xf32, #tpu.memory_space<hbm>>
        tpu.enqueue_dma source(%arg12 : memref<64x128xf32, #tpu.memory_space<vmem>>) target(%dma_start3A_138 : memref<64x128xf32, #tpu.memory_space<hbm>>) target_semaphore(%run_scoped3A_134 : memref<!tpu.dma_semaphore, #tpu.memory_space<semaphore_mem>>)
        %dma_wait3A_139 = arith.constant 0 : i32
        %dma_wait3A_140 = tpu.memref_slice %arg7[%add3A_129, %dma_wait3A_139] : memref<10240x128xf32, #tpu.memory_space<hbm>> -> memref<64x128xf32, #tpu.memory_space<hbm>>
        %dma_wait3A_141 = arith.constant 0 : i32
        %dma_wait3A_142 = tpu.memref_slice %arg7[%add3A_129, %dma_wait3A_141] : memref<10240x128xf32, #tpu.memory_space<hbm>> -> memref<64x128xf32, #tpu.memory_space<hbm>>
        tpu.wait_dma2 semaphore(%run_scoped3A_134 : memref<!tpu.dma_semaphore, #tpu.memory_space<semaphore_mem>>) src(%arg12 : memref<64x128xf32, #tpu.memory_space<vmem>>) dst(%dma_wait3A_142 : memref<64x128xf32, #tpu.memory_space<hbm>>)
        tpu.yield
      }) : () -> ()
      %mul3A_130 = arith.constant 640 : i32
      %mul3A_131 = arith.muli %arg1, %mul3A_130 : i32
      %add3A_132 = arith.constant 576 : i32
      %add3A_133 = arith.addi %mul3A_131, %add3A_132 : i32
      "tpu.region"() ({
        %run_scoped3A_134 = tpu.sem_alloc : memref<!tpu.dma_semaphore, #tpu.memory_space<semaphore_mem>>
        %dma_start3A_135 = arith.constant 0 : i32
        %dma_start3A_136 = tpu.memref_slice %arg13[%add3A_133, %dma_start3A_135] : memref<10240x128xf32, #tpu.memory_space<vmem_shared>> -> memref<64x128xf32, #tpu.memory_space<vmem_shared>>
        %dma_start3A_137 = arith.constant 0 : i32
        %dma_start3A_138 = tpu.memref_slice %arg13[%add3A_133, %dma_start3A_137] : memref<10240x128xf32, #tpu.memory_space<vmem_shared>> -> memref<64x128xf32, #tpu.memory_space<vmem_shared>>
        tpu.enqueue_dma source(%dma_start3A_138 : memref<64x128xf32, #tpu.memory_space<vmem_shared>>) target(%arg12 : memref<64x128xf32, #tpu.memory_space<vmem>>) target_semaphore(%run_scoped3A_134 : memref<!tpu.dma_semaphore, #tpu.memory_space<semaphore_mem>>)
        %dma_wait3A_139 = arith.constant 0 : i32
        %dma_wait3A_140 = tpu.memref_slice %arg13[%add3A_133, %dma_wait3A_139] : memref<10240x128xf32, #tpu.memory_space<vmem_shared>> -> memref<64x128xf32, #tpu.memory_space<vmem_shared>>
        %dma_wait3A_141 = arith.constant 0 : i32
        %dma_wait3A_142 = tpu.memref_slice %arg13[%add3A_133, %dma_wait3A_141] : memref<10240x128xf32, #tpu.memory_space<vmem_shared>> -> memref<64x128xf32, #tpu.memory_space<vmem_shared>>
        tpu.wait_dma2 semaphore(%run_scoped3A_134 : memref<!tpu.dma_semaphore, #tpu.memory_space<semaphore_mem>>) src(%dma_wait3A_142 : memref<64x128xf32, #tpu.memory_space<vmem_shared>>) dst(%arg12 : memref<64x128xf32, #tpu.memory_space<vmem>>)
        tpu.yield
      }) : () -> ()
      "tpu.region"() ({
        %run_scoped3A_134 = tpu.sem_alloc : memref<!tpu.dma_semaphore, #tpu.memory_space<semaphore_mem>>
        %dma_start3A_135 = arith.constant 0 : i32
        %dma_start3A_136 = tpu.memref_slice %arg7[%add3A_133, %dma_start3A_135] : memref<10240x128xf32, #tpu.memory_space<hbm>> -> memref<64x128xf32, #tpu.memory_space<hbm>>
        %dma_start3A_137 = arith.constant 0 : i32
        %dma_start3A_138 = tpu.memref_slice %arg7[%add3A_133, %dma_start3A_137] : memref<10240x128xf32, #tpu.memory_space<hbm>> -> memref<64x128xf32, #tpu.memory_space<hbm>>
        tpu.enqueue_dma source(%arg12 : memref<64x128xf32, #tpu.memory_space<vmem>>) target(%dma_start3A_138 : memref<64x128xf32, #tpu.memory_space<hbm>>) target_semaphore(%run_scoped3A_134 : memref<!tpu.dma_semaphore, #tpu.memory_space<semaphore_mem>>)
        %dma_wait3A_139 = arith.constant 0 : i32
        %dma_wait3A_140 = tpu.memref_slice %arg7[%add3A_133, %dma_wait3A_139] : memref<10240x128xf32, #tpu.memory_space<hbm>> -> memref<64x128xf32, #tpu.memory_space<hbm>>
        %dma_wait3A_141 = arith.constant 0 : i32
        %dma_wait3A_142 = tpu.memref_slice %arg7[%add3A_133, %dma_wait3A_141] : memref<10240x128xf32, #tpu.memory_space<hbm>> -> memref<64x128xf32, #tpu.memory_space<hbm>>
        tpu.wait_dma2 semaphore(%run_scoped3A_134 : memref<!tpu.dma_semaphore, #tpu.memory_space<semaphore_mem>>) src(%arg12 : memref<64x128xf32, #tpu.memory_space<vmem>>) dst(%dma_wait3A_142 : memref<64x128xf32, #tpu.memory_space<hbm>>)
        tpu.yield
      }) : () -> ()
    } else {
    }
    return
  }
}

module attributes {stable_mosaic.version = 14 : i64} {
  func.func @_pre_body(%arg0: i32, %arg1: memref<1000x128xf32, #tpu.memory_space<vmem>>, %arg2: memref<128x128xf32, #tpu.memory_space<vmem>>, %arg3: memref<1x128xf32, #tpu.memory_space<vmem>>, %arg4: memref<128x128xf32, #tpu.memory_space<vmem>>, %arg5: memref<1x128xf32, #tpu.memory_space<vmem>>, %arg6: memref<128x128xf32, #tpu.memory_space<vmem>>, %arg7: memref<1x128xf32, #tpu.memory_space<vmem>>, %arg8: memref<1000x128xf32, #tpu.memory_space<vmem>>, %arg9: memref<1000x128xf32, #tpu.memory_space<vmem>>, %arg10: memref<1000x128xf32, #tpu.memory_space<vmem>>) attributes {dimension_semantics = [#tpu.dimension_semantics<arbitrary>], iteration_bounds = array<i64: 10>, scalar_prefetch = 0 : i64, scratch_operands = 0 : i64, tpu.core_type = #tpu.core_type<tc>, window_params = [{transform_indices = @transform_0, window_bounds = array<i64: 1000, 128>}, {pipeline_mode = #tpu.pipeline_mode<synchronous>, transform_indices = @transform_1, window_bounds = array<i64: 128, 128>}, {pipeline_mode = #tpu.pipeline_mode<synchronous>, transform_indices = @transform_2, window_bounds = array<i64: 1, 128>}, {pipeline_mode = #tpu.pipeline_mode<synchronous>, transform_indices = @transform_3, window_bounds = array<i64: 128, 128>}, {pipeline_mode = #tpu.pipeline_mode<synchronous>, transform_indices = @transform_4, window_bounds = array<i64: 1, 128>}, {pipeline_mode = #tpu.pipeline_mode<synchronous>, transform_indices = @transform_5, window_bounds = array<i64: 128, 128>}, {pipeline_mode = #tpu.pipeline_mode<synchronous>, transform_indices = @transform_6, window_bounds = array<i64: 1, 128>}, {transform_indices = @transform_7, window_bounds = array<i64: 1000, 128>}, {transform_indices = @transform_8, window_bounds = array<i64: 1000, 128>}, {transform_indices = @transform_9, window_bounds = array<i64: 1000, 128>}]} {
    %get3A = arith.constant 0 : index
    %get3A_0 = arith.constant 0 : index
    %get3A_1 = vector.load %arg1[%get3A, %get3A_0] : memref<1000x128xf32, #tpu.memory_space<vmem>>, vector<1000x128xf32>
    %get3A_2 = arith.constant 0 : index
    %get3A_3 = arith.constant 0 : index
    %get3A_4 = vector.load %arg2[%get3A_2, %get3A_3] : memref<128x128xf32, #tpu.memory_space<vmem>>, vector<128x128xf32>
    %transpose3A = tpu.transpose %get3A_4, [1, 0] : vector<128x128xf32> -> vector<128x128xf32>
    %dot_general3A = arith.constant dense<0.000000e+00> : vector<1000x128xf32>
    %dot_general3A_5 = tpu.matmul %get3A_1, %transpose3A, %dot_general3A {dimension_numbers = #tpu.dot_dimension_numbers<[1], [0], [0], [1], [0, 0, 1, 1], [], []>, transpose_lhs_hint = false} : vector<1000x128xf32>, vector<128x128xf32>, vector<1000x128xf32> -> vector<1000x128xf32>
    %get3A_6 = arith.constant 0 : index
    %get3A_7 = arith.constant 0 : index
    %get3A_8 = vector.load %arg3[%get3A_6, %get3A_7] : memref<1x128xf32, #tpu.memory_space<vmem>>, vector<1x128xf32>
    %transpose3A_9 = tpu.transpose %get3A_8, [1, 0] : vector<1x128xf32> -> vector<128x1xf32>
    %dot_general3A_10 = arith.constant dense<0.000000e+00> : vector<1000x1xf32>
    %dot_general3A_11 = tpu.matmul %dot_general3A_5, %transpose3A_9, %dot_general3A_10 {dimension_numbers = #tpu.dot_dimension_numbers<[1], [0], [0], [1], [0, 0, 1, 1], [], []>, transpose_lhs_hint = false} : vector<1000x128xf32>, vector<128x1xf32>, vector<1000x1xf32> -> vector<1000x1xf32>
    %logistic3A = arith.negf %dot_general3A_11 : vector<1000x1xf32>
    %logistic3A_12 = math.exp %logistic3A : vector<1000x1xf32>
    %logistic3A_13 = arith.constant 1.000000e+00 : f32
    %logistic3A_14 = vector.broadcast %logistic3A_13 : f32 to vector<1000x1xf32>
    %logistic3A_15 = arith.addf %logistic3A_14, %logistic3A_12 : vector<1000x1xf32>
    %logistic3A_16 = arith.divf %logistic3A_14, %logistic3A_15 : vector<1000x1xf32>
    %mul3A = vector.broadcast %logistic3A_16 : vector<1000x1xf32> to vector<1000x128xf32>
    %mul3A_17 = arith.mulf %mul3A, %dot_general3A_5 : vector<1000x128xf32>
    %swap3A = arith.constant 0 : index
    %swap3A_18 = arith.constant 0 : index
    %swap3A_19 = vector.load %arg8[%swap3A, %swap3A_18] : memref<1000x128xf32, #tpu.memory_space<vmem>>, vector<1000x128xf32>
    tpu.vector_store %arg8[%swap3A, %swap3A_18], %mul3A_17 {strides = array<i32>} : memref<1000x128xf32, #tpu.memory_space<vmem>>, vector<1000x128xf32>,
    %get3A_20 = arith.constant 0 : index
    %get3A_21 = arith.constant 0 : index
    %get3A_22 = vector.load %arg4[%get3A_20, %get3A_21] : memref<128x128xf32, #tpu.memory_space<vmem>>, vector<128x128xf32>
    %dot_general3A_23 = arith.constant dense<0.000000e+00> : vector<1000x128xf32>
    %dot_general3A_24 = tpu.matmul %get3A_1, %get3A_22, %dot_general3A_23 {dimension_numbers = #tpu.dot_dimension_numbers<[1], [0], [0], [1], [0, 0, 1, 1], [], []>, transpose_lhs_hint = false} : vector<1000x128xf32>, vector<128x128xf32>, vector<1000x128xf32> -> vector<1000x128xf32>
    %get3A_25 = arith.constant 0 : index
    %get3A_26 = arith.constant 0 : index
    %get3A_27 = vector.load %arg4[%get3A_25, %get3A_26] : memref<128x128xf32, #tpu.memory_space<vmem>>, vector<128x128xf32>
    %dot_general3A_28 = arith.constant dense<0.000000e+00> : vector<1000x128xf32>
    %dot_general3A_29 = tpu.matmul %dot_general3A_24, %get3A_27, %dot_general3A_28 {dimension_numbers = #tpu.dot_dimension_numbers<[1], [0], [0], [1], [0, 0, 1, 1], [], []>, transpose_lhs_hint = false} : vector<1000x128xf32>, vector<128x128xf32>, vector<1000x128xf32> -> vector<1000x128xf32>
    %get3A_30 = arith.constant 0 : index
    %get3A_31 = arith.constant 0 : index
    %get3A_32 = vector.load %arg5[%get3A_30, %get3A_31] : memref<1x128xf32, #tpu.memory_space<vmem>>, vector<1x128xf32>
    %transpose3A_33 = tpu.transpose %get3A_32, [1, 0] : vector<1x128xf32> -> vector<128x1xf32>
    %dot_general3A_34 = arith.constant dense<0.000000e+00> : vector<1000x1xf32>
    %dot_general3A_35 = tpu.matmul %dot_general3A_29, %transpose3A_33, %dot_general3A_34 {dimension_numbers = #tpu.dot_dimension_numbers<[1], [0], [0], [1], [0, 0, 1, 1], [], []>, transpose_lhs_hint = false} : vector<1000x128xf32>, vector<128x1xf32>, vector<1000x1xf32> -> vector<1000x1xf32>
    %logistic3A_36 = arith.negf %dot_general3A_35 : vector<1000x1xf32>
    %logistic3A_37 = math.exp %logistic3A_36 : vector<1000x1xf32>
    %logistic3A_38 = arith.constant 1.000000e+00 : f32
    %logistic3A_39 = vector.broadcast %logistic3A_38 : f32 to vector<1000x1xf32>
    %logistic3A_40 = arith.addf %logistic3A_39, %logistic3A_37 : vector<1000x1xf32>
    %logistic3A_41 = arith.divf %logistic3A_39, %logistic3A_40 : vector<1000x1xf32>
    %mul3A_42 = vector.broadcast %logistic3A_41 : vector<1000x1xf32> to vector<1000x128xf32>
    %mul3A_43 = arith.mulf %mul3A_42, %dot_general3A_29 : vector<1000x128xf32>
    %swap3A_44 = arith.constant 0 : index
    %swap3A_45 = arith.constant 0 : index
    %swap3A_46 = vector.load %arg9[%swap3A_44, %swap3A_45] : memref<1000x128xf32, #tpu.memory_space<vmem>>, vector<1000x128xf32>
    tpu.vector_store %arg9[%swap3A_44, %swap3A_45], %mul3A_43 {strides = array<i32>} : memref<1000x128xf32, #tpu.memory_space<vmem>>, vector<1000x128xf32>,
    %get3A_47 = arith.constant 0 : index
    %get3A_48 = arith.constant 0 : index
    %get3A_49 = vector.load %arg6[%get3A_47, %get3A_48] : memref<128x128xf32, #tpu.memory_space<vmem>>, vector<128x128xf32>
    %dot_general3A_50 = arith.constant dense<0.000000e+00> : vector<1000x128xf32>
    %dot_general3A_51 = tpu.matmul %get3A_1, %get3A_49, %dot_general3A_50 {dimension_numbers = #tpu.dot_dimension_numbers<[1], [0], [0], [1], [0, 0, 1, 1], [], []>, transpose_lhs_hint = false} : vector<1000x128xf32>, vector<128x128xf32>, vector<1000x128xf32> -> vector<1000x128xf32>
    %get3A_52 = arith.constant 0 : index
    %get3A_53 = arith.constant 0 : index
    %get3A_54 = vector.load %arg6[%get3A_52, %get3A_53] : memref<128x128xf32, #tpu.memory_space<vmem>>, vector<128x128xf32>
    %dot_general3A_55 = arith.constant dense<0.000000e+00> : vector<1000x128xf32>
    %dot_general3A_56 = tpu.matmul %dot_general3A_51, %get3A_54, %dot_general3A_55 {dimension_numbers = #tpu.dot_dimension_numbers<[1], [0], [0], [1], [0, 0, 1, 1], [], []>, transpose_lhs_hint = false} : vector<1000x128xf32>, vector<128x128xf32>, vector<1000x128xf32> -> vector<1000x128xf32>
    %get3A_57 = arith.constant 0 : index
    %get3A_58 = arith.constant 0 : index
    %get3A_59 = vector.load %arg7[%get3A_57, %get3A_58] : memref<1x128xf32, #tpu.memory_space<vmem>>, vector<1x128xf32>
    %transpose3A_60 = tpu.transpose %get3A_59, [1, 0] : vector<1x128xf32> -> vector<128x1xf32>
    %dot_general3A_61 = arith.constant dense<0.000000e+00> : vector<1000x1xf32>
    %dot_general3A_62 = tpu.matmul %dot_general3A_56, %transpose3A_60, %dot_general3A_61 {dimension_numbers = #tpu.dot_dimension_numbers<[1], [0], [0], [1], [0, 0, 1, 1], [], []>, transpose_lhs_hint = false} : vector<1000x128xf32>, vector<128x1xf32>, vector<1000x1xf32> -> vector<1000x1xf32>
    %logistic3A_63 = arith.negf %dot_general3A_62 : vector<1000x1xf32>
    %logistic3A_64 = math.exp %logistic3A_63 : vector<1000x1xf32>
    %logistic3A_65 = arith.constant 1.000000e+00 : f32
    %logistic3A_66 = vector.broadcast %logistic3A_65 : f32 to vector<1000x1xf32>
    %logistic3A_67 = arith.addf %logistic3A_66, %logistic3A_64 : vector<1000x1xf32>
    %logistic3A_68 = arith.divf %logistic3A_66, %logistic3A_67 : vector<1000x1xf32>
    %mul3A_69 = vector.broadcast %logistic3A_68 : vector<1000x1xf32> to vector<1000x128xf32>
    %mul3A_70 = arith.mulf %mul3A_69, %dot_general3A_56 : vector<1000x128xf32>
    %swap3A_71 = arith.constant 0 : index
    %swap3A_72 = arith.constant 0 : index
    %swap3A_73 = vector.load %arg10[%swap3A_71, %swap3A_72] : memref<1000x128xf32, #tpu.memory_space<vmem>>, vector<1000x128xf32>
    tpu.vector_store %arg10[%swap3A_71, %swap3A_72], %mul3A_70 {strides = array<i32>} : memref<1000x128xf32, #tpu.memory_space<vmem>>, vector<1000x128xf32>,
    return
  }
  func.func @transform_0(%arg0: i32) -> (i32, i32) {
    %c0_i32 = arith.constant 0 : i32
    %c0_i32_0 = arith.constant 0 : i32
    return %arg0, %c0_i32 : i32, i32
  }
  func.func @transform_1(%arg0: i32) -> (i32, i32) {
    %c0_i32 = arith.constant 0 : i32
    %c0_i32_0 = arith.constant 0 : i32
    %c0_i32_1 = arith.constant 0 : i32
    return %c0_i32, %c0_i32_0 : i32, i32
  }
  func.func @transform_2(%arg0: i32) -> (i32, i32) {
    %c0_i32 = arith.constant 0 : i32
    %c0_i32_0 = arith.constant 0 : i32
    %c0_i32_1 = arith.constant 0 : i32
    return %c0_i32, %c0_i32_0 : i32, i32
  }
  func.func @transform_3(%arg0: i32) -> (i32, i32) {
    %c0_i32 = arith.constant 0 : i32
    %c0_i32_0 = arith.constant 0 : i32
    %c0_i32_1 = arith.constant 0 : i32
    return %c0_i32, %c0_i32_0 : i32, i32
  }
  func.func @transform_4(%arg0: i32) -> (i32, i32) {
    %c0_i32 = arith.constant 0 : i32
    %c0_i32_0 = arith.constant 0 : i32
    %c0_i32_1 = arith.constant 0 : i32
    return %c0_i32, %c0_i32_0 : i32, i32
  }
  func.func @transform_5(%arg0: i32) -> (i32, i32) {
    %c0_i32 = arith.constant 0 : i32
    %c0_i32_0 = arith.constant 0 : i32
    %c0_i32_1 = arith.constant 0 : i32
    return %c0_i32, %c0_i32_0 : i32, i32
  }
  func.func @transform_6(%arg0: i32) -> (i32, i32) {
    %c0_i32 = arith.constant 0 : i32
    %c0_i32_0 = arith.constant 0 : i32
    %c0_i32_1 = arith.constant 0 : i32
    return %c0_i32, %c0_i32_0 : i32, i32
  }
  func.func @transform_7(%arg0: i32) -> (i32, i32) {
    %c0_i32 = arith.constant 0 : i32
    %c0_i32_0 = arith.constant 0 : i32
    return %arg0, %c0_i32 : i32, i32
  }
  func.func @transform_8(%arg0: i32) -> (i32, i32) {
    %c0_i32 = arith.constant 0 : i32
    %c0_i32_0 = arith.constant 0 : i32
    return %arg0, %c0_i32 : i32, i32
  }
  func.func @transform_9(%arg0: i32) -> (i32, i32) {
    %c0_i32 = arith.constant 0 : i32
    %c0_i32_0 = arith.constant 0 : i32
    return %arg0, %c0_i32 : i32, i32
  }
}

module attributes {stable_mosaic.version = 14 : i64} {
  func.func @_fin_body(%arg0: i32, %arg1: memref<1000x128xf32, #tpu.memory_space<vmem>>, %arg2: memref<1000x128xf32, #tpu.memory_space<vmem>>, %arg3: memref<1000x128xf32, #tpu.memory_space<vmem>>, %arg4: memref<1000x128xf32, #tpu.memory_space<vmem>>) attributes {dimension_semantics = [#tpu.dimension_semantics<arbitrary>], iteration_bounds = array<i64: 10>, scalar_prefetch = 0 : i64, scratch_operands = 0 : i64, tpu.core_type = #tpu.core_type<tc>, window_params = [{transform_indices = @transform_0, window_bounds = array<i64: 1000, 128>}, {transform_indices = @transform_1, window_bounds = array<i64: 1000, 128>}, {transform_indices = @transform_2, window_bounds = array<i64: 1000, 128>}, {transform_indices = @transform_3, window_bounds = array<i64: 1000, 128>}]} {
    %get3A = arith.constant 0 : index
    %get3A_0 = arith.constant 0 : index
    %get3A_1 = vector.load %arg1[%get3A, %get3A_0] : memref<1000x128xf32, #tpu.memory_space<vmem>>, vector<1000x128xf32>
    %get3A_2 = arith.constant 0 : index
    %get3A_3 = arith.constant 0 : index
    %get3A_4 = vector.load %arg2[%get3A_2, %get3A_3] : memref<1000x128xf32, #tpu.memory_space<vmem>>, vector<1000x128xf32>
    %add3A = arith.addf %get3A_1, %get3A_4 : vector<1000x128xf32>
    %get3A_5 = arith.constant 0 : index
    %get3A_6 = arith.constant 0 : index
    %get3A_7 = vector.load %arg3[%get3A_5, %get3A_6] : memref<1000x128xf32, #tpu.memory_space<vmem>>, vector<1000x128xf32>
    %add3A_8 = arith.addf %add3A, %get3A_7 : vector<1000x128xf32>
    %max3A = arith.constant 0.000000e+00 : f32
    %max3A_9 = vector.broadcast %max3A : f32 to vector<1000x128xf32>
    %max3A_10 = arith.maximumf %add3A_8, %max3A_9 : vector<1000x128xf32>
    %swap3A = arith.constant 0 : index
    %swap3A_11 = arith.constant 0 : index
    %swap3A_12 = vector.load %arg4[%swap3A, %swap3A_11] : memref<1000x128xf32, #tpu.memory_space<vmem>>, vector<1000x128xf32>
    tpu.vector_store %arg4[%swap3A, %swap3A_11], %max3A_10 {strides = array<i32>} : memref<1000x128xf32, #tpu.memory_space<vmem>>, vector<1000x128xf32>,
    return
  }
  func.func @transform_0(%arg0: i32) -> (i32, i32) {
    %c0_i32 = arith.constant 0 : i32
    %c0_i32_0 = arith.constant 0 : i32
    return %arg0, %c0_i32 : i32, i32
  }
  func.func @transform_1(%arg0: i32) -> (i32, i32) {
    %c0_i32 = arith.constant 0 : i32
    %c0_i32_0 = arith.constant 0 : i32
    return %arg0, %c0_i32 : i32, i32
  }
  func.func @transform_2(%arg0: i32) -> (i32, i32) {
    %c0_i32 = arith.constant 0 : i32
    %c0_i32_0 = arith.constant 0 : i32
    return %arg0, %c0_i32 : i32, i32
  }
  func.func @transform_3(%arg0: i32) -> (i32, i32) {
    %c0_i32 = arith.constant 0 : i32
    %c0_i32_0 = arith.constant 0 : i32
    return %arg0, %c0_i32 : i32, i32
  }
}

</mosaic_0001>

<sc_bundles>
// kernel: kernel.5.cloned.1.call-start
scs
__scs_entry_jumppad:
0x0: {  	(pc) =	sbr.rel $0x88, $3  }
0x1: {  	(tag) =	ssettag $0x0;
	lr =	simm.s32 $0x1  }
0x2: {  	[smem:$0x3F99] =	sst lr;
	_ =	strace $0xD0000000  }
0x3: {  	_ = 	snop  }
0x4: {  	_ = 	snop  }
0x5: {  	_ = 	snop  }
0x6: {  	_ = 	snop  }
0x7: {  	_ = 	snop  }
__scs_overlays_trampoline_lowered:
0x8: {  	[smem:$0x3FA8] =	sst s0  }
0x9: {  	[smem:$0x3FA9] =	sst s1  }
0xa: {  	[smem:$0x3FAA] =	sst s2  }
0xb: {  	[smem:$0x3FAB] =	sst s3  }
0xc: {  	[smem:$0x3FAC] =	sst s4  }
0xd: {  	[smem:$0x3FAD] =	sst s5  }
0xe: {  	[smem:$0x3FAE] =	sst s6  }
0xf: {  	[smem:$0x3FAF] =	sst s7  }
0x10: {  	[smem:$0x3FB0] =	sst s8  }
0x11: {  	[smem:$0x3FB1] =	sst s9;
	s0 =	simm.s32 @!p0 $0x0  }
0x12: {  	s1 =	sld [smem:$0x3F97];
	s0 =	simm.s32 @p0 $0x1  }
0x13: {  	[smem:$0x3FB2] =	sst s0;
	s0 =	simm.s32 @!p1 $0x0  }
0x14: {  	s2 =	sld [smem:$0x3F96];
	s0 =	simm.s32 @p1 $0x1  }
0x15: {  	[smem:$0x3FB3] =	sst s0;
	s0 =	simm.s32 @!p2 $0x0  }
0x16: {  	s3 =	sld [smem:$0x3FDB];
	s0 =	simm.s32 @p2 $0x1  }
0x17: {  	s4 =	simm.s32 $0x1BF5;
	[smem:$0x3FB5] =	sst s0  }
0x18: {  	s0 =	sld [smem:$0x3F98];
	_ =	swait.ge [sflag:s4], $0x0  }
0x19: {  	s7 =	sld [smem:$0x3F99]  }
0x1a: {  	s8 =	sadd.s32 $0xFFFFE003, lr  }
0x1b: {  	s9 =	sadd.s32 $0xFFFFFEF7, lr;
	s5 =	simm.s32 $0xFFFFFFFF;
	p2 =	slt.u32 s8, $0xFFFFF086  }
0x1c: {  	p1 =	slt.u32 s9, $0xF7A;
	s5 =	simm.s32 @!p2 $0x0  }
0x1d: {  	s5 =	simm.s32 @p1 $0x1;
	p0 =	seq.s32 s7, s2  }
0x1e: {  	s7 =	smul.u32 @!p0 $0xF7A, s2;
	p2 =	seq.s32 @!p0 s5, $0x0  }
0x1f: {  	s9 =	smul.u32 $0xF7A, s1;
	s8 =	simm.s32 @!p0 $0x1BF5;
	p2 =	por !p2, p0  }
0x20: {  	[sflag:s8] =	ssyncset.s32 @!p0 $0xFFFFF086;
	s6 =	sadd.s32 @!p0 s3, s7;
	s7 =	simm.s32 @!p0 $0x108  }
0x21: {  	s3 =	sadd.s32 s3, s9;
	s6 =	sadd.s32 @!p0 $0x88, s6;
	s7 =	simm.s32 @p2 $0x1082  }
0x22: {  	[simem:s7], [sflag:s8] =	dma.local @!p0 [hbm:s6], $0xF7A  }
0x23: {  	s9 =	sor.u32 $0xD0000000, s2;
	s6 =	simm.s32 $0x108;
	_ =	swait.ge @!p0 [sflag:s8], $0x0  }
0x24: {  	s3 =	sadd.s32 $0x88, s3;
	s6 =	simm.s32 @!p1 $0x1082;
	[sflag:s4] =	ssyncset.s32 $0xFFFFF086  }
0x25: {  	[simem:s6], [sflag:s4] =	dma.local [hbm:s3], $0xF7A  }
0x26: {  	[smem:$0x3F99] =	sst s1;
	(tag) =	ssettag s2;
	_ =	strace s9  }
0x27: {  	s1 =	sld [smem:$0x3FA9]  }
0x28: {  	s2 =	sld [smem:$0x3FAA]  }
0x29: {  	s4 =	sld [smem:$0x3FAC]  }
0x2a: {  	p0 =	seq.s32 s5, $0x0;
	s5 =	sld [smem:$0x3FAD]  }
0x2b: {  	s6 =	sld [smem:$0x3FAE]  }
0x2c: {  	s7 =	sld [smem:$0x3FAF]  }
0x2d: {  	s3 =	simm.s32 $0x108;
	s8 =	sld [smem:$0x3FB0]  }
0x2e: {  	s3 =	simm.s32 @!p0 $0x1082;
	s9 =	sld [smem:$0x3FB1]  }
0x2f: {  	lr =	sadd.s32 s0, s3;
	s0 =	sld [smem:$0x3FA8]  }
0x30: {  	s3 =	sld [smem:$0x3FAB]  }
0x31: {  	[smem:$0x3FB4] =	sst s10  }
0x32: {  	s10 =	sld [smem:$0x3FB2];
	_ =	sdelay $0x3  }
0x33: {  	p0 =	seq.s32 s10, $0x1;
	s10 =	sld [smem:$0x3FB4];
	_ =	sdelay $0x3  }
0x34: {  	[smem:$0x3FB4] =	sst s10  }
0x35: {  	s10 =	sld [smem:$0x3FB3];
	_ =	sdelay $0x3  }
0x36: {  	p1 =	seq.s32 s10, $0x1;
	s10 =	sld [smem:$0x3FB4];
	_ =	sdelay $0x3  }
0x37: {  	[smem:$0x3FB4] =	sst s10  }
0x38: {  	s10 =	sld [smem:$0x3FB5]  }
0x39: {  	_ = 	snop;
	(pc) =	sbr.ind lr, $3  }
0x3a: {  	_ = 	snop  }
0x3b: {  	_ = 	snop  }
0x3c: {  	p2 =	seq.s32 s10, $0x1;
	s10 =	sld [smem:$0x3FB4]  }
0x3d: {  	_ =	shalt  }
0x3e: {  	_ =	shalt  }
0x3f: {  	_ =	shalt  }
0x40: {  	_ =	shalt  }
0x41: {  	_ =	shalt  }
0x42: {  	_ =	shalt  }
0x43: {  	_ =	shalt  }
0x44: {  	_ =	shalt  }
0x45: {  	_ =	shalt  }
0x46: {  	_ =	shalt  }
0x47: {  	_ =	shalt  }
0x48: {  	_ =	shalt  }
0x49: {  	_ =	shalt  }
0x4a: {  	_ =	shalt  }
0x4b: {  	_ =	shalt  }
0x4c: {  	_ =	shalt  }
0x4d: {  	_ =	shalt  }
0x4e: {  	_ =	shalt  }
0x4f: {  	_ =	shalt  }
0x50: {  	_ =	shalt  }
0x51: {  	_ =	shalt  }
0x52: {  	_ =	shalt  }
0x53: {  	_ =	shalt  }
0x54: {  	_ =	shalt  }
0x55: {  	_ =	shalt  }
0x56: {  	_ =	shalt  }
0x57: {  	_ =	shalt  }
0x58: {  	_ =	shalt  }
0x59: {  	_ =	shalt  }
0x5a: {  	_ =	shalt  }
0x5b: {  	_ =	shalt  }
0x5c: {  	_ =	shalt  }
0x5d: {  	_ =	shalt  }
0x5e: {  	_ =	shalt  }
0x5f: {  	_ =	shalt  }
0x60: {  	_ =	shalt  }
0x61: {  	_ =	shalt  }
0x62: {  	_ =	shalt  }
0x63: {  	_ =	shalt  }
0x64: {  	_ =	shalt  }
0x65: {  	_ =	shalt  }
0x66: {  	_ =	shalt  }
0x67: {  	_ =	shalt  }
0x68: {  	_ =	shalt  }
0x69: {  	_ =	shalt  }
0x6a: {  	_ =	shalt  }
0x6b: {  	_ =	shalt  }
0x6c: {  	_ =	shalt  }
0x6d: {  	_ =	shalt  }
0x6e: {  	_ =	shalt  }
0x6f: {  	_ =	shalt  }
0x70: {  	_ =	shalt  }
0x71: {  	_ =	shalt  }
0x72: {  	_ =	shalt  }
0x73: {  	_ =	shalt  }
0x74: {  	_ =	shalt  }
0x75: {  	_ =	shalt  }
0x76: {  	_ =	shalt  }
0x77: {  	_ =	shalt  }
0x78: {  	_ =	shalt  }
0x79: {  	_ =	shalt  }
0x7a: {  	_ =	shalt  }
0x7b: {  	_ =	shalt  }
0x7c: {  	_ =	shalt  }
0x7d: {  	_ =	shalt  }
0x7e: {  	_ =	shalt  }
0x7f: {  	_ =	shalt  }
0x80: {  	_ =	shalt  }
0x81: {  	_ =	shalt  }
0x82: {  	_ =	shalt  }
0x83: {  	_ =	shalt  }
0x84: {  	_ =	shalt  }
0x85: {  	_ =	shalt  }
0x86: {  	_ =	shalt  }
0x87: {  	_ =	shalt  }
.Lfunc_end0:
.L_simem_size_0:
called_computation_lowered:
.L_overlay_start_0:
0x88: {  	s2 =	sld [smem:$0x3FD9]  }
0x89: {  	s3 =	sld [smem:$0x3FFE];
	_ =	sdelay $0x1  }
0x8a: {  	s1 =	srdreg.scid  }
0x8b: {  	s0 =	sand.u32 $0x1, s1  }
0x8c: {  	s17 =	sshll.u32 s0, $0xA;
	s2 =	sadd.s32 s3, s2  }
0x8d: {  	s2 =	sadd.s32 s2, s17  }
0x8e: {  	[smem:$0x3FC0] =	sst s2  }
0x8f: {  	_ = 	snop  }
0x90: {  	s2 =	sld [smem:$0x3FD0];
	(tm) =	ssettm $0x1  }
0x91: {  	s18 =	sld [smem:$0x3FFB];
	_ =	sdelay $0x3  }
0x92: {  	_ =	strace s18  }
0x93: {  	s3 =	sld [smem:$0x3FFC];
	_ =	sdelay $0x3  }
0x94: {  	_ =	strace s3  }
0x95: {  	s3 =	sld [smem:$0x3FFD];
	_ =	sdelay $0x3  }
0x96: {  	_ =	strace s3  }
0x97: {  	_ =	strace $0x8FFFFFFF  }
0x98: {  	s19 =	sld [smem:$0x3FDB];
	_ =	sdelay $0x1  }
0x99: {  	s4 =	simm.s32 $_scs_section_size  }
0x9a: {  	s5 =	simm.s32 $_size__tile_overlayer_lowered;
	s6 =	simm.s32 $_tile_overlayer_lowered  }
0x9b: {  	s22 =	simm.s32 $0x1BFF;
	s21 =	sshll.u32 s6, $0x1;
	s3 =	sadd.s32 s4, s19  }
0x9c: {  	s7 =	simm.s32 $0x0;
	s20 =	sshll.u32 s5, $0x1;
	s5 =	sadd.s32 s21, s3  }
0x9d: {  	[timem:s7], [sflag:s22] =	dma.local [hbm:s5], s20  }
0x9e: {  	_ =	swait.ge [sflag:s22], s20  }
0x9f: {  	s4 =	ssub.s32 $0x0, s20;
	[sflag:s22] =	ssyncset.done $0x0  }
0xa0: {  	[sflag:s22] =	ssyncadd.s32 s4;
	_ =	sdelay $0x1  }
0xa1: {  	s23 =	simm.s32 $0x1B8B  }
0xa2: {  	_ =	swait.ge [sflag:s23], $0x1  }
0xa3: {  	[sflag:s23] =	ssyncset.done $0x0  }
0xa4: {  	s25 =	simm.s32 $0x1B8E;
	s24 =	sld [smem:$0x3FFE];
	[sflag:s23] =	ssyncadd.s32 $0xFFFFFFFF  }
0xa5: {  	s26 =	simm.s32 $execute0_lowered;
	[smem:$0x3FD2] =	sst s25  }
0xa6: {  	s5 =	sshll.u32 s26, $0x1;
	_ =	strace $0x80000046;
	[dreg:$0x1] =	wrdreg $0xFFFFFFFF  }
0xa7: {  	s28 =	simm.s32 $_size_execute0_lowered;
	s3 =	sadd.s32 s3, s5;
	[dreg:$0x0] =	wrdreg $0x0  }
0xa8: {  	s5 =	sshll.u32 s28, $0x1;
	[dreg:$0x2] =	wrdreg s3  }
0xa9: {  	[dreg:$0x3] =	wrdreg s5  }
0xaa: {  	[dreg:$0x4] =	wrdreg $0xC0  }
0xab: {  	_ =	task [dreg:s7], $0x5FFFF  }
0xac: {  	[dreg:$0x1] =	wrdreg $0xFFFFFFFF  }
0xad: {  	[dreg:$0x0] =	wrdreg $0x60  }
0xae: {  	[dreg:$0x2] =	wrdreg s2  }
0xaf: {  	[dreg:$0x3] =	wrdreg s24  }
0xb0: {  	[dreg:$0x4] =	wrdreg $0xBE200  }
0xb1: {  	[dreg:$0x5] =	wrdreg $0x9  }
0xb2: {  	_ =	task.clear_ibuf [dreg:s7], $0x6FFFF;
	_ =	strace $0x90000046  }
0xb3: {  	s29 =	simm.s32 $0x9;
	_ =	strace $0x80000048  }
0xb4: {  	_ =	swait.ge [sflag:s29], $0x1  }
0xb5: {  	[sflag:s29] =	ssyncadd.s32 $0xFFFFFFFF  }
0xb6: {  	_ =	strace $0x90000048  }
0xb7: {  	_ =	sfence  }
0xb8: {  	s30 =	sld [smem:$0x0];
	_ =	sdelay $0x2  }
0xb9: {  	s31 =	sshll.u32 s1, $0xD;
	s1 =	sshrl.u32 s1, $0x2  }
0xba: {  	s3 =	sand.u32 $0x4000, s31;
	s1 =	sadd.s32 s1, s30  }
0xbb: {  	s0 =	sor.u32 s3, s0;
	s1 =	sshll.u32 s1, $0x11  }
0xbc: {  	s0 =	sor.u32 s1, s0  }
0xbd: {  	s0 =	sadd.s32 $0x8F2B, s0  }
0xbe: {  	[sflag:s0] =	ssyncadd.remote.s32 $0x1  }
0xbf: {  	_ =	sfence.sel $0xFFFF  }
0xc0: {  	[dreg:$0x0] =	wrdreg $0xFFFFFFFF;
	(pc) =	sbr.abs _section_cstart, $3  }
0xc1: {  	[dreg:$0x1] =	wrdreg $0xFFFFFFFF  }
0xc2: {  	_ =	task.clear_ibuf [dreg:s7], $0x2FFFF;
	_ =	strace $0x9FFFFFFF  }
0xc3: {  	(tm) =	ssettm $0x7FFFFFFF  }
tec
execute0_lowered:
.L_overlay_start_1:
0x0: {  	(tag) =	ssettag $0x1  }
0x1: {  	s0 =	rddreg [dreg:$0x0]  }
0x2: {  	s1 =	rddreg [dreg:$0x1]  }
0x3: {  	s2 =	rddreg [dreg:$0x2];
	s4 =	srdreg.scid;
	s3 =	simm.s32 $0x0  }
0x4: {  	s8 =	stileid.u32;
	s13 =	simm.s32 $0x64600;
	s30 =	simm.s32 $0x9E20  }
0x5: {  	s31 =	simm.s32 $0x3;
	s4 =	sand.u32 $0x1, s4;
	s7 =	smul.u32 $0x14000, s8  }
0x6: {  	[smem:$0x7FF] =	sst s3;
	s5 =	sshll.u32 s4, $0x4;
	s6 =	ssub.s32 $0x2, s4  }
0x7: {  	p0 =	seq.s32 s4, $0x1;
	s5 =	sor.u32 s8, s5;
	s25 =	sshrl.u32 s6, $0x1  }
0x8: {  	s8 =	sor.u32 $0x2000, s7;
	s9 =	sadd.s32 $0x4000, s7;
	s10 =	sadd.s32 $0x6000, s7  }
0x9: {  	s11 =	sadd.s32 $0x8000, s7;
	s21 =	sadd.s32 $0xA000, s7;
	s22 =	sadd.s32 $0xC000, s7  }
0xa: {  	s23 =	sadd.s32 $0xE000, s7;
	s24 =	sadd.s32 $0x10000, s7;
	s26 =	sshrl.u32 s7, $0x3  }
0xb: {  	s13 =	simm.s32 @!p0 $0x3C600;
	s5 =	smul.u32 $0x4E2, s5;
	s6 =	ssub.s32 s6, s25  }
0xc: {  	s25 =	sadd.s32 $0x12000, s7;
	s12 =	sshrl.u32 s8, $0x3;
	s14 =	sshrl.u32 s9, $0x3  }
0xd: {  	s15 =	sshrl.u32 s10, $0x3;
	s16 =	sshrl.u32 s11, $0x3;
	s18 =	sadd.s32 s13, s1  }
0xe: {  	s17 =	sshrl.u32 s21, $0x3;
	s20 =	sshrl.u32 s22, $0x3;
	s4 =	sadd.s32 s18, s26  }
0xf: {  	s19 =	sshrl.u32 s23, $0x3;
	s26 =	sadd.s32 s18, s12;
	[dreg:$0x4] =	wrdreg s4  }
0x10: {  	s21 =	sadd.s32 s21, s2;
	s12 =	sadd.s32 s18, s14;
	[dreg:$0x5] =	wrdreg s26  }
0x11: {  	s22 =	sadd.s32 s22, s2;
	s14 =	sadd.s32 s18, s15;
	[dreg:$0x6] =	wrdreg s12  }
0x12: {  	s23 =	sadd.s32 s23, s2;
	s15 =	sadd.s32 s18, s16;
	[dreg:$0x7] =	wrdreg s14  }
0x13: {  	s16 =	sadd.s32 s18, s17;
	s17 =	sadd.s32 s18, s20;
	[dreg:$0x8] =	wrdreg s15  }
0x14: {  	s20 =	sadd.s32 s18, s19;
	s19 =	sadd.s32 s10, s2;
	[dreg:$0x9] =	wrdreg s16  }
0x15: {  	s29 =	smax.u32 s6, $0x1;
	s10 =	simm.s32 $0x2710;
	[dreg:$0xa] =	wrdreg s17  }
0x16: {  	s6 =	simm.s32 $0x1;
	[dreg:$0xb] =	wrdreg s20;
	s26 =	sshrl.u32 s24, $0x3  }
0x17: {  	s12 =	sshrl.u32 s25, $0x3;
	s14 =	sadd.s32 s5, s1;
	s15 =	sadd.s32 $0x15400, s1  }
0x18: {  	s16 =	sadd.s32 s7, s2;
	s17 =	sadd.s32 s8, s2;
	s20 =	sadd.s32 s11, s2  }
0x19: {  	s24 =	sadd.s32 s24, s2;
	s25 =	sadd.s32 s25, s2;
	s1 =	simm.s32 $0x50  }
0x1a: {  	s5 =	simm.s32 $0x7620;
	s7 =	simm.s32 $0x2;
	s4 =	sadd.s32 s18, s26  }
0x1b: {  	s8 =	simm.s32 $0x0;
	s13 =	sadd.s32 s18, s12;
	[dreg:$0xc] =	wrdreg s4  }
0x1c: {  	s18 =	sadd.s32 s9, s2;
	s26 =	sadd.s32 $0xB600, s14;
	[dreg:$0xd] =	wrdreg s13  }
0x1d: {  	v0 =	vimm.f32 $0.0e+00;
	s28 =	sadd.s32 $0x1800, s14;
	s4 =	simm.s32 $0x4E20;
	_ =	strace $0x80000047  }
.LBB2_1:
0x1e: {  	s9 =	simm.s32 $0x0;
	s11 =	simm.s32 $0x200  }
.LBB2_2:
0x1f: {  	p0 =	sne.s32 s11, $0x7E00;
	[tilespmem:s9+$0x9E90] =	vst v0  }
0x20: {  	[tilespmem:s9+$0x9E20] =	vst v0  }
0x21: {  	[tilespmem:s9+$0x9E30] =	vst v0  }
.Ltmp0:
0x22: {  	[tilespmem:s9+$0x9E40] =	vst v0;
	(pc) =	sbr.rel @p0 .LBB2_2-.Ltmp0, $4  }
0x23: {  	[tilespmem:s9+$0x9E50] =	vst v0  }
0x24: {  	[tilespmem:s9+$0x9E60] =	vst v0  }
0x25: {  	[tilespmem:s9+$0x9E70] =	vst v0  }
0x26: {  	[tilespmem:s9+$0x9E80] =	vst v0;
	s9 =	sshra.s32 s11, $0x2;
	s11 =	sadd.s32 $0x200, s11  }
0x27: {  	[tilespmem:s9+$0x9E90] =	vst v0  }
0x28: {  	[tilespmem:s9+$0x9E20] =	vst v0  }
0x29: {  	[tilespmem:s9+$0x9E30] =	vst v0  }
0x2a: {  	[tilespmem:s9+$0x9E40] =	vst v0  }
0x2b: {  	[tilespmem:s9+$0x9E50] =	vst v0  }
0x2c: {  	[tilespmem:s9+$0x9E60] =	vst v0  }
0x2d: {  	[tilespmem:s9+$0x9E70] =	vst v0  }
0x2e: {  	[tilespmem:s9+$0x9E80] =	vst v0  }
0x2f: {  	[spmem:s16] =	stream.linear.scatter [tilespmem:s30], [sflag:$0x3], $0x2000, $0x38;
	[tilespmem:$0x1FE20] =	vst v63  }
0x30: {  	_ =	swait.ge [sflag:s31], $0x2000  }
0x31: {  	[sflag:s31] =	ssyncset.done $0x0  }
0x32: {  	[sflag:s31] =	ssyncadd.s32 $0xFFFFE000  }
0x33: {  	[spmem:s17] =	stream.linear.scatter [tilespmem:s30], [sflag:$0x3], $0x2000, $0x38;
	[tilespmem:$0x1FE20] =	vst v63  }
0x34: {  	_ =	swait.ge [sflag:s31], $0x2000  }
0x35: {  	[sflag:s31] =	ssyncset.done $0x0  }
0x36: {  	[sflag:s31] =	ssyncadd.s32 $0xFFFFE000  }
0x37: {  	[spmem:s18] =	stream.linear.scatter [tilespmem:s30], [sflag:$0x3], $0x2000, $0x38;
	[tilespmem:$0x1FE20] =	vst v63  }
0x38: {  	_ =	swait.ge [sflag:s31], $0x2000  }
0x39: {  	[sflag:s31] =	ssyncset.done $0x0  }
0x3a: {  	[sflag:s31] =	ssyncadd.s32 $0xFFFFE000  }
0x3b: {  	[spmem:s19] =	stream.linear.scatter [tilespmem:s30], [sflag:$0x3], $0x2000, $0x38;
	[tilespmem:$0x1FE20] =	vst v63  }
0x3c: {  	_ =	swait.ge [sflag:s31], $0x2000  }
0x3d: {  	[sflag:s31] =	ssyncset.done $0x0  }
0x3e: {  	[sflag:s31] =	ssyncadd.s32 $0xFFFFE000  }
0x3f: {  	[spmem:s20] =	stream.linear.scatter [tilespmem:s30], [sflag:$0x3], $0x2000, $0x38;
	[tilespmem:$0x1FE20] =	vst v63  }
0x40: {  	_ =	swait.ge [sflag:s31], $0x2000  }
0x41: {  	[sflag:s31] =	ssyncset.done $0x0  }
0x42: {  	[sflag:s31] =	ssyncadd.s32 $0xFFFFE000  }
0x43: {  	[spmem:s21] =	stream.linear.scatter [tilespmem:s30], [sflag:$0x3], $0x2000, $0x38;
	[tilespmem:$0x1FE20] =	vst v63  }
0x44: {  	_ =	swait.ge [sflag:s31], $0x2000  }
0x45: {  	[sflag:s31] =	ssyncset.done $0x0  }
0x46: {  	[sflag:s31] =	ssyncadd.s32 $0xFFFFE000  }
0x47: {  	[spmem:s22] =	stream.linear.scatter [tilespmem:s30], [sflag:$0x3], $0x2000, $0x38;
	[tilespmem:$0x1FE20] =	vst v63  }
0x48: {  	_ =	swait.ge [sflag:s31], $0x2000  }
0x49: {  	[sflag:s31] =	ssyncset.done $0x0  }
0x4a: {  	[sflag:s31] =	ssyncadd.s32 $0xFFFFE000  }
0x4b: {  	[spmem:s23] =	stream.linear.scatter [tilespmem:s30], [sflag:$0x3], $0x2000, $0x38;
	[tilespmem:$0x1FE20] =	vst v63  }
0x4c: {  	_ =	swait.ge [sflag:s31], $0x2000  }
0x4d: {  	[sflag:s31] =	ssyncset.done $0x0  }
0x4e: {  	[sflag:s31] =	ssyncadd.s32 $0xFFFFE000  }
0x4f: {  	[spmem:s24] =	stream.linear.scatter [tilespmem:s30], [sflag:$0x3], $0x2000, $0x38;
	[tilespmem:$0x1FE20] =	vst v63  }
0x50: {  	_ =	swait.ge [sflag:s31], $0x2000  }
0x51: {  	[sflag:s31] =	ssyncset.done $0x0  }
0x52: {  	[sflag:s31] =	ssyncadd.s32 $0xFFFFE000  }
0x53: {  	[spmem:s25] =	stream.linear.scatter [tilespmem:s30], [sflag:$0x3], $0x2000, $0x38;
	[tilespmem:$0x1FE20] =	vst v63  }
0x54: {  	_ =	swait.ge [sflag:s31], $0x2000  }
0x55: {  	[sflag:s31] =	ssyncset.done $0x0  }
0x56: {  	s14 =	simm.s32 $0x0;
	[sflag:s31] =	ssyncadd.s32 $0xFFFFE000  }
0x57: {  	[tilespmem:s14], [sflag:$0x3] =	stream.linear.gather [hbm4b:s26+s14], $0x2710, $0x38;
	[tilespmem:$0x1FE20] =	vst v63  }
0x58: {  	_ =	swait.ge [sflag:s31], $0x2710  }
0x59: {  	[sflag:s31] =	ssyncset.done $0x0  }
0x5a: {  	[sflag:s31] =	ssyncadd.s32 $0xFFFFD8F0  }
0x5b: {  	[tilespmem:s10], [sflag:$0x3] =	stream.linear.gather [hbm4b:s28+s14], $0x2710, $0x38;
	[tilespmem:$0x1FE20] =	vst v63  }
0x5c: {  	_ =	swait.ge [sflag:s31], $0x2710  }
0x5d: {  	[sflag:s31] =	ssyncset.done $0x0  }
0x5e: {  	[sflag:s31] =	ssyncadd.s32 $0xFFFFD8F0  }
0x5f: {  	[bflag:$0x0] =	sbarrier.arrive $0xFFFF  }
0x60: {  	[tilespmem:s4], [sflag:$0x1] =	stream.indirect.gather [hbm4b:s0+s1], $0x80, s14, s1, $0xb8;
	[tilespmem:$0x1FE20] =	vst v63  }
0x61: {  	s11 =	simm.s32 $0x50  }
0x62: {  	[tilespmem:s5], [sflag:$0x2] =	stream.indirect.gather [hbm4b:s0+s1], $0x80, s11, s1, $0xb8;
	[tilespmem:$0x1FE20] =	vst v63  }
0x63: {  	_ =	swait.ge [sflag:s6], $0x2800  }
0x64: {  	[sflag:s6] =	ssyncset.done $0x0  }
0x65: {  	s12 =	simm.s32 $0x2710;
	[sflag:s6] =	ssyncadd.s32 $0xFFFFD800  }
0x66: {  	[spmem:s2] =	stream.indirect.scatter.add.f32 [tilespmem:s4], [sflag:$0x3], $0x80, s12, s1, $0xb8;
	[tilespmem:$0x1FE20] =	vst v63  }
0x67: {  	_ =	swait.ge [sflag:s31], $0x2800  }
0x68: {  	[sflag:s31] =	ssyncset.done $0x0  }
0x69: {  	s13 =	simm.s32 $0xA0;
	[sflag:s31] =	ssyncadd.s32 $0xFFFFD800  }
0x6a: {  	[tilespmem:s4], [sflag:$0x1] =	stream.indirect.gather [hbm4b:s0+s1], $0x80, s13, s1, $0xb8;
	[tilespmem:$0x1FE20] =	vst v63  }
0x6b: {  	_ =	swait.ge [sflag:s7], $0x2800  }
0x6c: {  	[sflag:s7] =	ssyncset.done $0x0  }
0x6d: {  	s14 =	simm.s32 $0x2760;
	[sflag:s7] =	ssyncadd.s32 $0xFFFFD800  }
0x6e: {  	[spmem:s2] =	stream.indirect.scatter.add.f32 [tilespmem:s5], [sflag:$0x3], $0x80, s14, s1, $0xb8;
	[tilespmem:$0x1FE20] =	vst v63  }
0x6f: {  	_ =	swait.ge [sflag:s31], $0x2800  }
0x70: {  	s9 =	simm.s32 $0xA0;
	s11 =	simm.s32 $0x500;
	[sflag:s31] =	ssyncset.done $0x0  }
.LBB2_4:
0x71: {  	s12 =	sadd.s32 $0x50, s9  }
0x72: {  	[sflag:s31] =	ssyncadd.s32 $0xFFFFD800;
	s13 =	smov.u32 s11;
	s14 =	sadd.s32 $0x280, s11  }
0x73: {  	[tilespmem:s5], [sflag:$0x2] =	stream.indirect.gather [hbm4b:s0+s1], $0x80, s12, s1, $0xb8;
	[tilespmem:$0x1FE20] =	vst v63  }
0x74: {  	p0 =	sne.s32 s11, $0x9880;
	_ =	swait.ge [sflag:s6], $0x2800  }
0x75: {  	[sflag:s6] =	ssyncset.done $0x0  }
0x76: {  	s11 =	sadd.s32 $0x2710, s9;
	[sflag:s6] =	ssyncadd.s32 $0xFFFFD800  }
0x77: {  	[spmem:s2] =	stream.indirect.scatter.add.f32 [tilespmem:s4], [sflag:$0x3], $0x80, s11, s1, $0xb8;
	[tilespmem:$0x1FE20] =	vst v63  }
0x78: {  	_ =	swait.ge [sflag:s31], $0x2800  }
0x79: {  	[sflag:s31] =	ssyncset.done $0x0  }
0x7a: {  	s11 =	sadd.s32 $0xA0, s9;
	[sflag:s31] =	ssyncadd.s32 $0xFFFFD800  }
0x7b: {  	[tilespmem:s4], [sflag:$0x1] =	stream.indirect.gather [hbm4b:s0+s1], $0x80, s11, s1, $0xb8;
	[tilespmem:$0x1FE20] =	vst v63  }
0x7c: {  	_ =	swait.ge [sflag:s7], $0x2800  }
.Ltmp1:
0x7d: {  	[sflag:s7] =	ssyncset.done $0x0;
	(pc) =	sbr.rel @p0 .LBB2_4-.Ltmp1, $4  }
0x7e: {  	s9 =	sadd.s32 $0x2760, s9;
	[sflag:s7] =	ssyncadd.s32 $0xFFFFD800  }
0x7f: {  	[spmem:s2] =	stream.indirect.scatter.add.f32 [tilespmem:s5], [sflag:$0x3], $0x80, s9, s1, $0xb8;
	[tilespmem:$0x1FE20] =	vst v63  }
0x80: {  	_ =	swait.ge [sflag:s31], $0x2800  }
0x81: {  	s11 =	smov.u32 s14;
	s9 =	sshra.s32 s13, $0x2;
	[sflag:s31] =	ssyncset.done $0x0  }
0x82: {  	s11 =	sadd.s32 $0x50, s9;
	[sflag:s31] =	ssyncadd.s32 $0xFFFFD800  }
0x83: {  	[tilespmem:s5], [sflag:$0x2] =	stream.indirect.gather [hbm4b:s0+s1], $0x80, s11, s1, $0xb8;
	[tilespmem:$0x1FE20] =	vst v63  }
0x84: {  	_ =	swait.ge [sflag:s6], $0x2800  }
0x85: {  	[sflag:s6] =	ssyncset.done $0x0  }
0x86: {  	s14 =	sadd.s32 $0x2710, s9;
	[sflag:s6] =	ssyncadd.s32 $0xFFFFD800  }
0x87: {  	[spmem:s2] =	stream.indirect.scatter.add.f32 [tilespmem:s4], [sflag:$0x3], $0x80, s14, s1, $0xb8;
	[tilespmem:$0x1FE20] =	vst v63  }
0x88: {  	_ =	swait.ge [sflag:s31], $0x2800  }
0x89: {  	[sflag:s31] =	ssyncset.done $0x0  }
0x8a: {  	s12 =	sadd.s32 $0xA0, s9;
	[sflag:s31] =	ssyncadd.s32 $0xFFFFD800  }
0x8b: {  	[tilespmem:s4], [sflag:$0x1] =	stream.indirect.gather [hbm4b:s0+s1], $0x80, s12, s1, $0xb8;
	[tilespmem:$0x1FE20] =	vst v63  }
0x8c: {  	_ =	swait.ge [sflag:s7], $0x2800  }
0x8d: {  	[sflag:s7] =	ssyncset.done $0x0  }
0x8e: {  	s13 =	sadd.s32 $0x2760, s9;
	[sflag:s7] =	ssyncadd.s32 $0xFFFFD800  }
0x8f: {  	[spmem:s2] =	stream.indirect.scatter.add.f32 [tilespmem:s5], [sflag:$0x3], $0x80, s13, s1, $0xb8;
	[tilespmem:$0x1FE20] =	vst v63  }
0x90: {  	_ =	swait.ge [sflag:s31], $0x2800  }
0x91: {  	[sflag:s31] =	ssyncset.done $0x0  }
0x92: {  	[sflag:s31] =	ssyncadd.s32 $0xFFFFD800  }
0x93: {  	_ =	swait.ge [sflag:s6], $0x2800  }
0x94: {  	[sflag:s6] =	ssyncset.done $0x0  }
0x95: {  	s14 =	simm.s32 $0x4DD0;
	[sflag:s6] =	ssyncadd.s32 $0xFFFFD800  }
0x96: {  	[spmem:s2] =	stream.indirect.scatter.add.f32 [tilespmem:s4], [sflag:$0x3], $0x80, s14, s1, $0xb8;
	[tilespmem:$0x1FE20] =	vst v63  }
0x97: {  	_ =	swait.ge [sflag:s31], $0x2800  }
0x98: {  	[sflag:s31] =	ssyncset.done $0x0  }
0x99: {  	[sflag:s31] =	ssyncadd.s32 $0xFFFFD800  }
0x9a: {  	[tilespmem:s4], [sflag:$0x1] =	stream.indirect.gather [hbm4b:s15+s1], $0x80, s10, s1, $0xb8;
	[tilespmem:$0x1FE20] =	vst v63  }
0x9b: {  	s11 =	simm.s32 $0x2760  }
0x9c: {  	[tilespmem:s5], [sflag:$0x2] =	stream.indirect.gather [hbm4b:s15+s1], $0x80, s11, s1, $0xb8;
	[tilespmem:$0x1FE20] =	vst v63  }
0x9d: {  	_ =	swait.ge [sflag:s6], $0x2800  }
0x9e: {  	[sflag:s6] =	ssyncset.done $0x0  }
0x9f: {  	s12 =	simm.s32 $0x0;
	[sflag:s6] =	ssyncadd.s32 $0xFFFFD800  }
0xa0: {  	[spmem:s2] =	stream.indirect.scatter.add.f32 [tilespmem:s4], [sflag:$0x3], $0x80, s12, s1, $0xb8;
	[tilespmem:$0x1FE20] =	vst v63  }
0xa1: {  	_ =	swait.ge [sflag:s31], $0x2800  }
0xa2: {  	[sflag:s31] =	ssyncset.done $0x0  }
0xa3: {  	s13 =	simm.s32 $0x27B0;
	[sflag:s31] =	ssyncadd.s32 $0xFFFFD800  }
0xa4: {  	[tilespmem:s4], [sflag:$0x1] =	stream.indirect.gather [hbm4b:s15+s1], $0x80, s13, s1, $0xb8;
	[tilespmem:$0x1FE20] =	vst v63  }
0xa5: {  	_ =	swait.ge [sflag:s7], $0x2800  }
0xa6: {  	[sflag:s7] =	ssyncset.done $0x0  }
0xa7: {  	s14 =	simm.s32 $0x50;
	[sflag:s7] =	ssyncadd.s32 $0xFFFFD800  }
0xa8: {  	[spmem:s2] =	stream.indirect.scatter.add.f32 [tilespmem:s5], [sflag:$0x3], $0x80, s14, s1, $0xb8;
	[tilespmem:$0x1FE20] =	vst v63  }
0xa9: {  	_ =	swait.ge [sflag:s31], $0x2800  }
0xaa: {  	s9 =	simm.s32 $0xA0;
	s11 =	simm.s32 $0x500;
	[sflag:s31] =	ssyncset.done $0x0  }
.LBB2_6:
0xab: {  	s12 =	sadd.s32 $0x2760, s9  }
0xac: {  	[sflag:s31] =	ssyncadd.s32 $0xFFFFD800;
	s13 =	smov.u32 s11;
	s14 =	sadd.s32 $0x280, s11  }
0xad: {  	[tilespmem:s5], [sflag:$0x2] =	stream.indirect.gather [hbm4b:s15+s1], $0x80, s12, s1, $0xb8;
	[tilespmem:$0x1FE20] =	vst v63  }
0xae: {  	p0 =	sne.s32 s11, $0x9880;
	_ =	swait.ge [sflag:s6], $0x2800  }
0xaf: {  	[sflag:s6] =	ssyncset.done $0x0  }
0xb0: {  	[sflag:s6] =	ssyncadd.s32 $0xFFFFD800  }
0xb1: {  	[spmem:s2] =	stream.indirect.scatter.add.f32 [tilespmem:s4], [sflag:$0x3], $0x80, s9, s1, $0xb8;
	[tilespmem:$0x1FE20] =	vst v63  }
0xb2: {  	_ =	swait.ge [sflag:s31], $0x2800  }
0xb3: {  	[sflag:s31] =	ssyncset.done $0x0  }
0xb4: {  	s11 =	sadd.s32 $0x27B0, s9;
	[sflag:s31] =	ssyncadd.s32 $0xFFFFD800  }
0xb5: {  	[tilespmem:s4], [sflag:$0x1] =	stream.indirect.gather [hbm4b:s15+s1], $0x80, s11, s1, $0xb8;
	[tilespmem:$0x1FE20] =	vst v63  }
0xb6: {  	_ =	swait.ge [sflag:s7], $0x2800  }
.Ltmp2:
0xb7: {  	[sflag:s7] =	ssyncset.done $0x0;
	(pc) =	sbr.rel @p0 .LBB2_6-.Ltmp2, $4  }
0xb8: {  	s9 =	sadd.s32 $0x50, s9;
	[sflag:s7] =	ssyncadd.s32 $0xFFFFD800  }
0xb9: {  	[spmem:s2] =	stream.indirect.scatter.add.f32 [tilespmem:s5], [sflag:$0x3], $0x80, s9, s1, $0xb8;
	[tilespmem:$0x1FE20] =	vst v63  }
0xba: {  	_ =	swait.ge [sflag:s31], $0x2800  }
0xbb: {  	s11 =	smov.u32 s14;
	s9 =	sshra.s32 s13, $0x2;
	[sflag:s31] =	ssyncset.done $0x0  }
0xbc: {  	s11 =	sadd.s32 $0x2760, s9;
	[sflag:s31] =	ssyncadd.s32 $0xFFFFD800  }
0xbd: {  	[tilespmem:s5], [sflag:$0x2] =	stream.indirect.gather [hbm4b:s15+s1], $0x80, s11, s1, $0xb8;
	[tilespmem:$0x1FE20] =	vst v63  }
0xbe: {  	_ =	swait.ge [sflag:s6], $0x2800  }
0xbf: {  	[sflag:s6] =	ssyncset.done $0x0  }
0xc0: {  	[sflag:s6] =	ssyncadd.s32 $0xFFFFD800  }
0xc1: {  	[spmem:s2] =	stream.indirect.scatter.add.f32 [tilespmem:s4], [sflag:$0x3], $0x80, s9, s1, $0xb8;
	[tilespmem:$0x1FE20] =	vst v63  }
0xc2: {  	_ =	swait.ge [sflag:s31], $0x2800  }
0xc3: {  	[sflag:s31] =	ssyncset.done $0x0  }
0xc4: {  	s14 =	sadd.s32 $0x27B0, s9;
	[sflag:s31] =	ssyncadd.s32 $0xFFFFD800  }
0xc5: {  	[tilespmem:s4], [sflag:$0x1] =	stream.indirect.gather [hbm4b:s15+s1], $0x80, s14, s1, $0xb8;
	[tilespmem:$0x1FE20] =	vst v63  }
0xc6: {  	_ =	swait.ge [sflag:s7], $0x2800  }
0xc7: {  	[sflag:s7] =	ssyncset.done $0x0  }
0xc8: {  	s11 =	sadd.s32 $0x50, s9;
	[sflag:s7] =	ssyncadd.s32 $0xFFFFD800  }
0xc9: {  	[spmem:s2] =	stream.indirect.scatter.add.f32 [tilespmem:s5], [sflag:$0x3], $0x80, s11, s1, $0xb8;
	[tilespmem:$0x1FE20] =	vst v63  }
0xca: {  	_ =	swait.ge [sflag:s31], $0x2800  }
0xcb: {  	[sflag:s31] =	ssyncset.done $0x0  }
0xcc: {  	[sflag:s31] =	ssyncadd.s32 $0xFFFFD800  }
0xcd: {  	_ =	swait.ge [sflag:s6], $0x2800  }
0xce: {  	[sflag:s6] =	ssyncset.done $0x0  }
0xcf: {  	s12 =	simm.s32 $0x26C0;
	[sflag:s6] =	ssyncadd.s32 $0xFFFFD800  }
0xd0: {  	[spmem:s2] =	stream.indirect.scatter.add.f32 [tilespmem:s4], [sflag:$0x3], $0x80, s12, s1, $0xb8;
	[tilespmem:$0x1FE20] =	vst v63  }
0xd1: {  	_ =	swait.ge [sflag:s31], $0x2800  }
0xd2: {  	[sflag:s31] =	ssyncset.done $0x0  }
0xd3: {  	[sflag:s31] =	ssyncadd.s32 $0xFFFFD800  }
0xd4: {  	[bflag:$0x0] =	sbarrier.arrive $0xFFFF  }
0xd5: {  	[tilespmem:s30], [sflag:$0x3] =	stream.linear.gather [spmem:s16], $0x2000, $0x38;
	[tilespmem:$0x1FE20] =	vst v63  }
0xd6: {  	_ =	swait.ge [sflag:s31], $0x2000  }
0xd7: {  	[sflag:s31] =	ssyncset.done $0x0  }
0xd8: {  	s13 =	rddreg [dreg:$0x4];
	[sflag:s31] =	ssyncadd.s32 $0xFFFFE000  }
0xd9: {  	[hbm4b:s13+s3] =	stream.linear.scatter [tilespmem:s30], [sflag:$0x3], $0x2000, $0x38;
	[tilespmem:$0x1FE20] =	vst v63  }
0xda: {  	_ =	swait.ge [sflag:s31], $0x2000  }
0xdb: {  	[sflag:s31] =	ssyncset.done $0x0  }
0xdc: {  	[sflag:s31] =	ssyncadd.s32 $0xFFFFE000  }
0xdd: {  	[tilespmem:s30], [sflag:$0x3] =	stream.linear.gather [spmem:s17], $0x2000, $0x38;
	[tilespmem:$0x1FE20] =	vst v63  }
0xde: {  	_ =	swait.ge [sflag:s31], $0x2000  }
0xdf: {  	[sflag:s31] =	ssyncset.done $0x0  }
0xe0: {  	s14 =	rddreg [dreg:$0x5];
	[sflag:s31] =	ssyncadd.s32 $0xFFFFE000  }
0xe1: {  	[hbm4b:s14+s3] =	stream.linear.scatter [tilespmem:s30], [sflag:$0x3], $0x2000, $0x38;
	[tilespmem:$0x1FE20] =	vst v63  }
0xe2: {  	_ =	swait.ge [sflag:s31], $0x2000  }
0xe3: {  	[sflag:s31] =	ssyncset.done $0x0  }
0xe4: {  	[sflag:s31] =	ssyncadd.s32 $0xFFFFE000  }
0xe5: {  	[tilespmem:s30], [sflag:$0x3] =	stream.linear.gather [spmem:s18], $0x2000, $0x38;
	[tilespmem:$0x1FE20] =	vst v63  }
0xe6: {  	_ =	swait.ge [sflag:s31], $0x2000  }
0xe7: {  	[sflag:s31] =	ssyncset.done $0x0  }
0xe8: {  	s11 =	rddreg [dreg:$0x6];
	[sflag:s31] =	ssyncadd.s32 $0xFFFFE000  }
0xe9: {  	[hbm4b:s11+s3] =	stream.linear.scatter [tilespmem:s30], [sflag:$0x3], $0x2000, $0x38;
	[tilespmem:$0x1FE20] =	vst v63  }
0xea: {  	_ =	swait.ge [sflag:s31], $0x2000  }
0xeb: {  	[sflag:s31] =	ssyncset.done $0x0  }
0xec: {  	[sflag:s31] =	ssyncadd.s32 $0xFFFFE000  }
0xed: {  	[tilespmem:s30], [sflag:$0x3] =	stream.linear.gather [spmem:s19], $0x2000, $0x38;
	[tilespmem:$0x1FE20] =	vst v63  }
0xee: {  	_ =	swait.ge [sflag:s31], $0x2000  }
0xef: {  	[sflag:s31] =	ssyncset.done $0x0  }
0xf0: {  	s12 =	rddreg [dreg:$0x7];
	[sflag:s31] =	ssyncadd.s32 $0xFFFFE000  }
0xf1: {  	[hbm4b:s12+s3] =	stream.linear.scatter [tilespmem:s30], [sflag:$0x3], $0x2000, $0x38;
	[tilespmem:$0x1FE20] =	vst v63  }
0xf2: {  	_ =	swait.ge [sflag:s31], $0x2000  }
0xf3: {  	[sflag:s31] =	ssyncset.done $0x0  }
0xf4: {  	[sflag:s31] =	ssyncadd.s32 $0xFFFFE000  }
0xf5: {  	[tilespmem:s30], [sflag:$0x3] =	stream.linear.gather [spmem:s20], $0x2000, $0x38;
	[tilespmem:$0x1FE20] =	vst v63  }
0xf6: {  	_ =	swait.ge [sflag:s31], $0x2000  }
0xf7: {  	[sflag:s31] =	ssyncset.done $0x0  }
0xf8: {  	s13 =	rddreg [dreg:$0x8];
	[sflag:s31] =	ssyncadd.s32 $0xFFFFE000  }
0xf9: {  	[hbm4b:s13+s3] =	stream.linear.scatter [tilespmem:s30], [sflag:$0x3], $0x2000, $0x38;
	[tilespmem:$0x1FE20] =	vst v63  }
0xfa: {  	_ =	swait.ge [sflag:s31], $0x2000  }
0xfb: {  	[sflag:s31] =	ssyncset.done $0x0  }
0xfc: {  	[sflag:s31] =	ssyncadd.s32 $0xFFFFE000  }
0xfd: {  	[tilespmem:s30], [sflag:$0x3] =	stream.linear.gather [spmem:s21], $0x2000, $0x38;
	[tilespmem:$0x1FE20] =	vst v63  }
0xfe: {  	_ =	swait.ge [sflag:s31], $0x2000  }
0xff: {  	[sflag:s31] =	ssyncset.done $0x0  }
0x100: {  	s14 =	rddreg [dreg:$0x9];
	[sflag:s31] =	ssyncadd.s32 $0xFFFFE000  }
0x101: {  	[hbm4b:s14+s3] =	stream.linear.scatter [tilespmem:s30], [sflag:$0x3], $0x2000, $0x38;
	[tilespmem:$0x1FE20] =	vst v63  }
0x102: {  	_ =	swait.ge [sflag:s31], $0x2000  }
0x103: {  	[sflag:s31] =	ssyncset.done $0x0  }
0x104: {  	[sflag:s31] =	ssyncadd.s32 $0xFFFFE000  }
0x105: {  	[tilespmem:s30], [sflag:$0x3] =	stream.linear.gather [spmem:s22], $0x2000, $0x38;
	[tilespmem:$0x1FE20] =	vst v63  }
0x106: {  	_ =	swait.ge [sflag:s31], $0x2000  }
0x107: {  	[sflag:s31] =	ssyncset.done $0x0  }
0x108: {  	s11 =	rddreg [dreg:$0xa];
	[sflag:s31] =	ssyncadd.s32 $0xFFFFE000  }
0x109: {  	[hbm4b:s11+s3] =	stream.linear.scatter [tilespmem:s30], [sflag:$0x3], $0x2000, $0x38;
	[tilespmem:$0x1FE20] =	vst v63  }
0x10a: {  	_ =	swait.ge [sflag:s31], $0x2000  }
0x10b: {  	[sflag:s31] =	ssyncset.done $0x0  }
0x10c: {  	[sflag:s31] =	ssyncadd.s32 $0xFFFFE000  }
0x10d: {  	[tilespmem:s30], [sflag:$0x3] =	stream.linear.gather [spmem:s23], $0x2000, $0x38;
	[tilespmem:$0x1FE20] =	vst v63  }
0x10e: {  	_ =	swait.ge [sflag:s31], $0x2000  }
0x10f: {  	[sflag:s31] =	ssyncset.done $0x0  }
0x110: {  	s12 =	rddreg [dreg:$0xb];
	[sflag:s31] =	ssyncadd.s32 $0xFFFFE000  }
0x111: {  	[hbm4b:s12+s3] =	stream.linear.scatter [tilespmem:s30], [sflag:$0x3], $0x2000, $0x38;
	[tilespmem:$0x1FE20] =	vst v63  }
0x112: {  	_ =	swait.ge [sflag:s31], $0x2000  }
0x113: {  	[sflag:s31] =	ssyncset.done $0x0  }
0x114: {  	[sflag:s31] =	ssyncadd.s32 $0xFFFFE000  }
0x115: {  	[tilespmem:s30], [sflag:$0x3] =	stream.linear.gather [spmem:s24], $0x2000, $0x38;
	[tilespmem:$0x1FE20] =	vst v63  }
0x116: {  	_ =	swait.ge [sflag:s31], $0x2000  }
0x117: {  	[sflag:s31] =	ssyncset.done $0x0  }
0x118: {  	s13 =	rddreg [dreg:$0xc];
	[sflag:s31] =	ssyncadd.s32 $0xFFFFE000  }
0x119: {  	[hbm4b:s13+s3] =	stream.linear.scatter [tilespmem:s30], [sflag:$0x3], $0x2000, $0x38;
	[tilespmem:$0x1FE20] =	vst v63  }
0x11a: {  	_ =	swait.ge [sflag:s31], $0x2000  }
0x11b: {  	[sflag:s31] =	ssyncset.done $0x0  }
0x11c: {  	[sflag:s31] =	ssyncadd.s32 $0xFFFFE000  }
0x11d: {  	[tilespmem:s30], [sflag:$0x3] =	stream.linear.gather [spmem:s25], $0x2000, $0x38;
	[tilespmem:$0x1FE20] =	vst v63  }
0x11e: {  	s8 =	sadd.s32 $0x1, s8;
	_ =	swait.ge [sflag:s31], $0x2000  }
0x11f: {  	p0 =	sne.s32 s8, s29;
	[sflag:s31] =	ssyncset.done $0x0  }
.Ltmp3:
0x120: {  	s14 =	rddreg [dreg:$0xd];
	[sflag:s31] =	ssyncadd.s32 $0xFFFFE000;
	(pc) =	sbr.rel @p0 .LBB2_1-.Ltmp3, $4  }
0x121: {  	[hbm4b:s14+s3] =	stream.linear.scatter [tilespmem:s30], [sflag:$0x3], $0x2000, $0x38;
	[tilespmem:$0x1FE20] =	vst v63  }
0x122: {  	_ =	swait.ge [sflag:s31], $0x2000  }
0x123: {  	[sflag:s31] =	ssyncset.done $0x0  }
0x124: {  	[sflag:s31] =	ssyncadd.s32 $0xFFFFE000  }
0x125: {  	_ =	sfence.sel $0x180000  }
0x126: {  	[bflag:$0x0] =	sbarrier.arrive $0xFFFF  }
0x127: {  	_ =	strace $0x90000047  }
0x128: {  	s0 =	stileid.u32;
	[bflag:$0x2] =	sbarrier.arrive $0xFFFF  }
0x129: {  	p0 =	sne.s32 s0, $0x0;
	s0 =	rddreg [dreg:$0x3]  }
0x12a: {  	s0 =	sadd.s32 @!p0 $0x100000, s0  }
0x12b: {  	[sflag:s0] =	ssyncadd.tile.s32 @!p0 $0x1;
	_ =	shalt  }
.Lfunc_end2:
_tile_overlayer_lowered:
.L_overlay_start_2:
0x12c: {  	(tag) =	ssettag $0x2  }
0x12d: {  	s0 =	rddreg [dreg:$0x0];
	s2 =	stileid.u32  }
0x12e: {  	s1 =	rddreg [dreg:$0x1];
	p0 =	sne.s32 s2, $0x0  }
0x12f: {  	s3 =	rddreg [dreg:$0x2];
	[bflag:$0x3] =	sbarrier.arrive $0xFFFF;
	s2 =	simm.s32 @!p0 $0x1C03  }
0x130: {  	[timem:s3], [sflag:s2] =	dma.local @!p0 [hbm:s0], s1  }
0x131: {  	s0 =	simm.s32 @!p0 $0x3  }
0x132: {  	_ =	swait.ge @!p0 [sflag:s0], s1  }
0x133: {  	s1 =	ssub.s32 @!p0 $0x0, s1;
	[sflag:s0] =	ssyncset.done @!p0 $0x0  }
0x134: {  	[sflag:s0] =	ssyncadd.s32 @!p0 s1  }
0x135: {  	[bflag:$0x3] =	sbarrier.arrive $0xFFFF  }
0x136: {  	_ =	shalt  }

</sc_bundles>
